<compile_context>
chip_gen: v7x
topology: tpu7x:2x2x1
jax: 0.10.2.dev20260603
libtpu: 0.0.44.dev20260713+nightly
codegen_flags: <defaults>
</compile_context>

<pallas_src>
import functools

import jax
import jax.numpy as jnp
from jax import lax
from jax.experimental import pallas as pl
from jax.experimental.pallas import tpu as pltpu
from jax.experimental.pallas import tpu_sc as plsc

_NC = 2
_NS = 16
_NW = _NC * _NS

_BB = 128
_VB = 2048
_PW = 129


def _tc_detile(w_t, v, d):

    def body(in_ref, out_ref):
        out_ref[:, 0:d] = in_ref[...].T

    return pl.pallas_call(
        body,
        grid=(pl.cdiv(v, _VB),),
        in_specs=[pl.BlockSpec((d, _VB), lambda i: (0, i))],
        out_specs=pl.BlockSpec((_VB, 2 * d), lambda i: (i, 0)),
        out_shape=jax.ShapeDtypeStruct((v, 2 * d), jnp.float32),
    )(w_t)


@functools.partial(jax.jit, static_argnames=("b", "l", "d"))
def _sc_gather(idx_t, table, b, l, d):
    b_per_w = b // _NW
    nbb = b_per_w // _BB
    n_chunks = nbb * l
    dh = d // 8
    mesh = plsc.VectorSubcoreMesh(core_axis_name="c", subcore_axis_name="s")

    @functools.partial(
        pl.kernel,
        out_type=jax.ShapeDtypeStruct((l, dh, b // _BB, 8, _BB), jnp.float32),
        mesh=mesh,
        compiler_params=pltpu.CompilerParams(
            use_tc_tiling_on_sc=False, needs_layout_passes=False
        ),
        scratch_types=[
            pltpu.VMEM((l, b_per_w), jnp.int32),
            pltpu.VMEM((2, _BB, 2 * d), jnp.float32),
            pltpu.VMEM((2, dh, 8, _PW), jnp.float32),
        ]
        + [pltpu.SemaphoreType.DMA] * 4,
    )
    def k(idx_hbm, table_hbm, out_hbm, idx_v, gbuf, tbuf, *sems):
        gsems = sems[:2]
        wsems = sems[2:]
        wid = lax.axis_index("s") * _NC + lax.axis_index("c")
        b0 = wid * b_per_w
        pltpu.sync_copy(idx_hbm.at[:, pl.ds(b0, b_per_w)], idx_v)

        iota = lax.iota(jnp.int32, 16)

        def idx_at(c):
            bbl = c // l
            li = c - bbl * l
            return idx_v.at[li].at[pl.ds(bbl * _BB, _BB)]

        def out_at(c):
            bbl = c // l
            li = c - bbl * l
            return out_hbm.at[li].at[:, wid * nbb + bbl]

        d_hi = [(lax.iota(jnp.int32, 16) + dv * 16) >> 3 for dv in range(4)]
        d_lo = [(lax.iota(jnp.int32, 16) + dv * 16) & 7 for dv in range(4)]

        def transpose(db):
            src = gbuf.at[db]
            dst = tbuf.at[db]

            def row(bi, carry):
                bvec = jnp.full((16,), bi, jnp.int32)
                for dv in range(4):
                    v = src[bi, pl.ds(dv * 16, 16)]
                    plsc.store_scatter(dst, [d_hi[dv], d_lo[dv], bvec], v)
                return carry

            lax.fori_loop(0, _BB, row, 0)

        pltpu.async_copy(table_hbm.at[idx_at(0)], gbuf.at[0], gsems[0])
        pltpu.async_copy(table_hbm.at[idx_at(1)], gbuf.at[1], gsems[1])

        def outer(j, carry):
            c0 = j * 2
            for db in range(2):
                c = c0 + db
                pltpu.make_async_copy(
                    table_hbm.at[idx_at(c)], gbuf.at[db], gsems[db]
                ).wait()

                @pl.when(c >= 2)
                def _drain_wb():
                    pltpu.make_async_copy(
                        tbuf.at[db].at[:, :, pl.ds(0, _BB)], out_at(0), wsems[db]
                    ).wait()

                transpose(db)

                @pl.when(c + 2 < n_chunks)
                def _launch():
                    pltpu.async_copy(
                        table_hbm.at[idx_at(c + 2)], gbuf.at[db], gsems[db]
                    )

                pltpu.async_copy(
                    tbuf.at[db].at[:, :, pl.ds(0, _BB)], out_at(c), wsems[db]
                )

            return carry

        lax.fori_loop(0, n_chunks // 2, outer, 0)

        for db in range(2):
            pltpu.make_async_copy(
                tbuf.at[db].at[:, :, pl.ds(0, _BB)], out_at(0), wsems[db]
            ).wait()

    return k(idx_t, table)


def kernel(x, weights):
    b, l = x.shape
    v, d = weights.shape
    idx_t = x.T.astype(jnp.int32)
    table = _tc_detile(weights.T, v, d)
    out5 = _sc_gather(idx_t, table, b, l, d)
    return out5.transpose(2, 4, 0, 1, 3).reshape(b, l, d)

# --- scband reference (transcript-rebuilt; emitter-appended) ---
"""Pipeline reference for scband-pretrained-word-embeddings-41858751267202 (READ-ONLY COPY).

The authoritative reference and input builder live on the scoring server;
editing this copy changes nothing except your own understanding.
"""

import jax, jax.numpy as jnp
import numpy as np

VOCAB = 1000000
DIM = 64
B = 16384
L = 50
PADDING_IDX = 0


def setup_inputs(seed: int = 0) -> dict:
    key = jax.random.key(seed)
    k1, k2 = jax.random.split(key)
    # Pretrained embedding table (the `weights` arg to __init__).
    weights = jax.random.normal(k1, (VOCAB, DIM), dtype=jnp.float32)
    # Conventionally the padding row is zero in pretrained tables.
    weights = weights.at[PADDING_IDX].set(0.0)
    x = jax.random.randint(k2, (B, L), 0, VOCAB, dtype=jnp.int64)
    return {"x": x, "weights": weights}


def reference(x, weights):
    # nn.Embedding forward: pure row gather from the table.
    return jnp.take(weights, x, axis=0)

if __name__ == "__main__":
    import jax
    _d = setup_inputs()
    print(jax.jit(kernel)(*tuple(_d.values())))

</pallas_src>

<mosaic_0001>
#map = affine_map<(d0, d1) -> (0, 0)>
#map1 = affine_map<(d0, d1) -> (0, 0, 0, 0, 0)>
module attributes {stable_mosaic.version = 14 : i64} {
  func.func @k(%arg0: i32, %arg1: i32, %arg2: memref<50x16384xi32, #tpu.memory_space<hbm>>, %arg3: memref<1000000x128xf32, #tpu.memory_space<hbm>>, %arg4: memref<50x8x128x8x128xf32, #tpu.memory_space<hbm>>, %arg5: memref<50x512xi32, #tpu.memory_space<vmem>>, %arg6: memref<2x128x128xf32, #tpu.memory_space<vmem>>, %arg7: memref<2x8x8x129xf32, #tpu.memory_space<vmem>>, %arg8: memref<!tpu.dma_semaphore, #tpu.memory_space<semaphore_mem>>, %arg9: memref<!tpu.dma_semaphore, #tpu.memory_space<semaphore_mem>>, %arg10: memref<!tpu.dma_semaphore, #tpu.memory_space<semaphore_mem>>, %arg11: memref<!tpu.dma_semaphore, #tpu.memory_space<semaphore_mem>>) attributes {dimension_semantics = [#tpu.dimension_semantics<core_parallel>, #tpu.dimension_semantics<subcore_parallel>], iteration_bounds = array<i64: 2, 16>, scalar_prefetch = 0 : i64, scratch_operands = 7 : i64, tpu.core_type = #tpu.core_type<sc_vector_subcore>, window_params = [{transform_indices = #map}, {transform_indices = #map}, {transform_indices = #map1}]} {
    %mul3A = arith.constant 2 : i32
    %mul3A_0 = arith.muli %arg1, %mul3A : i32
    %add3A = arith.addi %mul3A_0, %arg0 : i32
    %mul3A_1 = arith.constant 512 : i32
    %mul3A_2 = arith.muli %add3A, %mul3A_1 : i32
    "tpu.region"() ({
      %run_scoped3A = tpu.sem_alloc : memref<!tpu.dma_semaphore, #tpu.memory_space<semaphore_mem>>
      %dma_start3A_180 = arith.constant 0 : i32
      %dma_start3A_181 = tpu.memref_slice %arg2[%dma_start3A_180, %mul3A_2] : memref<50x16384xi32, #tpu.memory_space<hbm>> -> memref<50x512xi32, #tpu.memory_space<hbm>>
      %dma_start3A_182 = arith.constant 0 : i32
      %dma_start3A_183 = tpu.memref_slice %arg2[%dma_start3A_182, %mul3A_2] : memref<50x16384xi32, #tpu.memory_space<hbm>> -> memref<50x512xi32, #tpu.memory_space<hbm>>
      tpu.enqueue_dma source(%dma_start3A_183 : memref<50x512xi32, #tpu.memory_space<hbm>>) target(%arg5 : memref<50x512xi32, #tpu.memory_space<vmem>>) target_semaphore(%run_scoped3A : memref<!tpu.dma_semaphore, #tpu.memory_space<semaphore_mem>>)
      %dma_wait3A_184 = arith.constant 0 : i32
      %dma_wait3A_185 = tpu.memref_slice %arg2[%dma_wait3A_184, %mul3A_2] : memref<50x16384xi32, #tpu.memory_space<hbm>> -> memref<50x512xi32, #tpu.memory_space<hbm>>
      %dma_wait3A_186 = arith.constant 0 : i32
      %dma_wait3A_187 = tpu.memref_slice %arg2[%dma_wait3A_186, %mul3A_2] : memref<50x16384xi32, #tpu.memory_space<hbm>> -> memref<50x512xi32, #tpu.memory_space<hbm>>
      tpu.wait_dma2 semaphore(%run_scoped3A : memref<!tpu.dma_semaphore, #tpu.memory_space<semaphore_mem>>) src(%dma_wait3A_187 : memref<50x512xi32, #tpu.memory_space<hbm>>) dst(%arg5 : memref<50x512xi32, #tpu.memory_space<vmem>>)
      tpu.yield
    }) : () -> ()
    %iota3A = tpu.iota {dimensions = array<i32: 0>} : vector<16xi32>
    %iota3A_3 = tpu.iota {dimensions = array<i32: 0>} : vector<16xi32>
    %add3A_4 = arith.constant 0 : i32
    %add3A_5 = vector.broadcast %add3A_4 : i32 to vector<16xi32>
    %add3A_6 = arith.addi %iota3A_3, %add3A_5 : vector<16xi32>
    %shift_right_arithmetic3A = arith.constant 3 : i32
    %shift_right_arithmetic3A_7 = vector.broadcast %shift_right_arithmetic3A : i32 to vector<16xi32>
    %shift_right_arithmetic3A_8 = arith.shrsi %add3A_6, %shift_right_arithmetic3A_7 : vector<16xi32>
    %iota3A_9 = tpu.iota {dimensions = array<i32: 0>} : vector<16xi32>
    %add3A_10 = arith.constant 16 : i32
    %add3A_11 = vector.broadcast %add3A_10 : i32 to vector<16xi32>
    %add3A_12 = arith.addi %iota3A_9, %add3A_11 : vector<16xi32>
    %shift_right_arithmetic3A_13 = arith.constant 3 : i32
    %shift_right_arithmetic3A_14 = vector.broadcast %shift_right_arithmetic3A_13 : i32 to vector<16xi32>
    %shift_right_arithmetic3A_15 = arith.shrsi %add3A_12, %shift_right_arithmetic3A_14 : vector<16xi32>
    %iota3A_16 = tpu.iota {dimensions = array<i32: 0>} : vector<16xi32>
    %add3A_17 = arith.constant 32 : i32
    %add3A_18 = vector.broadcast %add3A_17 : i32 to vector<16xi32>
    %add3A_19 = arith.addi %iota3A_16, %add3A_18 : vector<16xi32>
    %shift_right_arithmetic3A_20 = arith.constant 3 : i32
    %shift_right_arithmetic3A_21 = vector.broadcast %shift_right_arithmetic3A_20 : i32 to vector<16xi32>
    %shift_right_arithmetic3A_22 = arith.shrsi %add3A_19, %shift_right_arithmetic3A_21 : vector<16xi32>
    %iota3A_23 = tpu.iota {dimensions = array<i32: 0>} : vector<16xi32>
    %add3A_24 = arith.constant 48 : i32
    %add3A_25 = vector.broadcast %add3A_24 : i32 to vector<16xi32>
    %add3A_26 = arith.addi %iota3A_23, %add3A_25 : vector<16xi32>
    %shift_right_arithmetic3A_27 = arith.constant 3 : i32
    %shift_right_arithmetic3A_28 = vector.broadcast %shift_right_arithmetic3A_27 : i32 to vector<16xi32>
    %shift_right_arithmetic3A_29 = arith.shrsi %add3A_26, %shift_right_arithmetic3A_28 : vector<16xi32>
    %iota3A_30 = tpu.iota {dimensions = array<i32: 0>} : vector<16xi32>
    %add3A_31 = arith.constant 0 : i32
    %add3A_32 = vector.broadcast %add3A_31 : i32 to vector<16xi32>
    %add3A_33 = arith.addi %iota3A_30, %add3A_32 : vector<16xi32>
    %and3A = arith.constant 7 : i32
    %and3A_34 = vector.broadcast %and3A : i32 to vector<16xi32>
    %and3A_35 = arith.andi %add3A_33, %and3A_34 : vector<16xi32>
    %iota3A_36 = tpu.iota {dimensions = array<i32: 0>} : vector<16xi32>
    %add3A_37 = arith.constant 16 : i32
    %add3A_38 = vector.broadcast %add3A_37 : i32 to vector<16xi32>
    %add3A_39 = arith.addi %iota3A_36, %add3A_38 : vector<16xi32>
    %and3A_40 = arith.constant 7 : i32
    %and3A_41 = vector.broadcast %and3A_40 : i32 to vector<16xi32>
    %and3A_42 = arith.andi %add3A_39, %and3A_41 : vector<16xi32>
    %iota3A_43 = tpu.iota {dimensions = array<i32: 0>} : vector<16xi32>
    %add3A_44 = arith.constant 32 : i32
    %add3A_45 = vector.broadcast %add3A_44 : i32 to vector<16xi32>
    %add3A_46 = arith.addi %iota3A_43, %add3A_45 : vector<16xi32>
    %and3A_47 = arith.constant 7 : i32
    %and3A_48 = vector.broadcast %and3A_47 : i32 to vector<16xi32>
    %and3A_49 = arith.andi %add3A_46, %and3A_48 : vector<16xi32>
    %iota3A_50 = tpu.iota {dimensions = array<i32: 0>} : vector<16xi32>
    %add3A_51 = arith.constant 48 : i32
    %add3A_52 = vector.broadcast %add3A_51 : i32 to vector<16xi32>
    %add3A_53 = arith.addi %iota3A_50, %add3A_52 : vector<16xi32>
    %and3A_54 = arith.constant 7 : i32
    %and3A_55 = vector.broadcast %and3A_54 : i32 to vector<16xi32>
    %and3A_56 = arith.andi %add3A_53, %and3A_55 : vector<16xi32>
    %dma_start3A = arith.constant 0 : i32
    %dma_start3A_57 = arith.constant 0 : i32
    %dma_start3A_58 = arith.constant 0 : i32
    %dma_start3A_59 = arith.constant 0 : i32
    %dma_start3A_60 = tpu.memref_slice %arg6[%dma_start3A_57, %dma_start3A_58, %dma_start3A_59] : memref<2x128x128xf32, #tpu.memory_space<vmem>> -> memref<1x128x128xf32, #tpu.memory_space<vmem>>
    %dma_start3A_61 = tpu.memref_squeeze %dma_start3A_60 : memref<1x128x128xf32, #tpu.memory_space<vmem>> -> memref<128x128xf32, #tpu.memory_space<vmem>>
    %dma_start3A_62 = arith.constant 0 : i32
    %dma_start3A_63 = tpu.memref_slice %arg5[%dma_start3A, %dma_start3A_62] : memref<50x512xi32, #tpu.memory_space<vmem>> -> memref<1x512xi32, #tpu.memory_space<vmem>>
    %dma_start3A_64 = tpu.memref_squeeze %dma_start3A_63 : memref<1x512xi32, #tpu.memory_space<vmem>> -> memref<512xi32, #tpu.memory_space<vmem>>
    %dma_start3A_65 = arith.constant 0 : i32
    %dma_start3A_66 = tpu.memref_slice %dma_start3A_64[%dma_start3A_65] : memref<512xi32, #tpu.memory_space<vmem>> -> memref<128xi32, #tpu.memory_space<vmem>>
    %dma_start3A_67 = arith.constant 0 : i32
    %dma_start3A_68 = arith.constant 0 : i32
    %dma_start3A_69 = tpu.memref_slice %arg3[%dma_start3A_67, %dma_start3A_68] : memref<1000000x128xf32, #tpu.memory_space<hbm>> -> memref<1000000x128xf32, #tpu.memory_space<hbm>>
    tpu.enqueue_indirect_dma source(%dma_start3A_69 : memref<1000000x128xf32, #tpu.memory_space<hbm>>) target(%dma_start3A_61 : memref<128x128xf32, #tpu.memory_space<vmem>>) offsets(%dma_start3A_66 : memref<128xi32, #tpu.memory_space<vmem>>) semaphore(%arg8 : memref<!tpu.dma_semaphore, #tpu.memory_space<semaphore_mem>>)
    %dma_start3A_70 = arith.constant 1 : i32
    %dma_start3A_71 = arith.constant 1 : i32
    %dma_start3A_72 = arith.constant 0 : i32
    %dma_start3A_73 = arith.constant 0 : i32
    %dma_start3A_74 = tpu.memref_slice %arg6[%dma_start3A_71, %dma_start3A_72, %dma_start3A_73] : memref<2x128x128xf32, #tpu.memory_space<vmem>> -> memref<1x128x128xf32, #tpu.memory_space<vmem>>
    %dma_start3A_75 = tpu.memref_squeeze %dma_start3A_74 : memref<1x128x128xf32, #tpu.memory_space<vmem>> -> memref<128x128xf32, #tpu.memory_space<vmem>>
    %dma_start3A_76 = arith.constant 0 : i32
    %dma_start3A_77 = tpu.memref_slice %arg5[%dma_start3A_70, %dma_start3A_76] : memref<50x512xi32, #tpu.memory_space<vmem>> -> memref<1x512xi32, #tpu.memory_space<vmem>>
    %dma_start3A_78 = tpu.memref_squeeze %dma_start3A_77 : memref<1x512xi32, #tpu.memory_space<vmem>> -> memref<512xi32, #tpu.memory_space<vmem>>
    %dma_start3A_79 = arith.constant 0 : i32
    %dma_start3A_80 = tpu.memref_slice %dma_start3A_78[%dma_start3A_79] : memref<512xi32, #tpu.memory_space<vmem>> -> memref<128xi32, #tpu.memory_space<vmem>>
    %dma_start3A_81 = arith.constant 0 : i32
    %dma_start3A_82 = arith.constant 0 : i32
    %dma_start3A_83 = tpu.memref_slice %arg3[%dma_start3A_81, %dma_start3A_82] : memref<1000000x128xf32, #tpu.memory_space<hbm>> -> memref<1000000x128xf32, #tpu.memory_space<hbm>>
    tpu.enqueue_indirect_dma source(%dma_start3A_83 : memref<1000000x128xf32, #tpu.memory_space<hbm>>) target(%dma_start3A_75 : memref<128x128xf32, #tpu.memory_space<vmem>>) offsets(%dma_start3A_80 : memref<128xi32, #tpu.memory_space<vmem>>) semaphore(%arg9 : memref<!tpu.dma_semaphore, #tpu.memory_space<semaphore_mem>>)
    %scan3A = arith.constant 0 : i32
    %scan3A_84 = arith.constant 0 : i32
    %scan3A_85 = arith.constant 100 : i32
    %scan3A_86 = arith.addi %scan3A_84, %scan3A_85 : i32
    %scan3A_87 = arith.constant 1 : i32
    scf.for %scan3A_180 = %scan3A_84 to %scan3A_86 step %scan3A_87  : i32 {
      %mul3A_181 = arith.constant 2 : i32
      %mul3A_182 = arith.muli %scan3A_180, %mul3A_181 : i32
      %add3A_183 = arith.constant 0 : i32
      %add3A_184 = arith.addi %mul3A_182, %add3A_183 : i32
      %jit3A = arith.constant 50 : i32
      %div3A = arith.divsi %add3A_184, %jit3A : i32
      %sign3A = arith.constant 0 : i32
      %sign3A_185 = arith.cmpi sgt, %add3A_184, %sign3A : i32
      %sign3A_186 = arith.extui %sign3A_185 : i1 to i32
      %sign3A_187 = arith.constant 0 : i32
      %sign3A_188 = arith.cmpi slt, %add3A_184, %sign3A_187 : i32
      %sign3A_189 = arith.extui %sign3A_188 : i1 to i32
      %sign3A_190 = arith.subi %sign3A_186, %sign3A_189 : i32
      %sign3A_191 = arith.constant 0 : i32
      %sign3A_192 = arith.cmpi sgt, %jit3A, %sign3A_191 : i32
      %sign3A_193 = arith.extui %sign3A_192 : i1 to i32
      %sign3A_194 = arith.constant 0 : i32
      %sign3A_195 = arith.cmpi slt, %jit3A, %sign3A_194 : i32
      %sign3A_196 = arith.extui %sign3A_195 : i1 to i32
      %sign3A_197 = arith.subi %sign3A_193, %sign3A_196 : i32
      %ne3A = arith.cmpi ne, %sign3A_190, %sign3A_197 : i32
      %rem3A = arith.remsi %add3A_184, %jit3A : i32
      %ne3A_198 = arith.constant 0 : i32
      %ne3A_199 = arith.cmpi ne, %rem3A, %ne3A_198 : i32
      %and3A_200 = arith.andi %ne3A, %ne3A_199 : i1
      %sub3A = arith.constant 1 : i32
      %sub3A_201 = arith.subi %div3A, %sub3A : i32
      %select_n3A = arith.select %and3A_200, %sub3A_201, %div3A : i32
      %mul3A_202 = arith.constant 50 : i32
      %mul3A_203 = arith.muli %select_n3A, %mul3A_202 : i32
      %sub3A_204 = arith.subi %add3A_184, %mul3A_203 : i32
      %mul3A_205 = arith.constant 128 : i32
      %mul3A_206 = arith.muli %select_n3A, %mul3A_205 : i32
      %dma_wait3A_207 = arith.constant 0 : i32
      %dma_wait3A_208 = arith.constant 0 : i32
      %dma_wait3A_209 = arith.constant 0 : i32
      %dma_wait3A_210 = tpu.memref_slice %arg6[%dma_wait3A_207, %dma_wait3A_208, %dma_wait3A_209] : memref<2x128x128xf32, #tpu.memory_space<vmem>> -> memref<1x128x128xf32, #tpu.memory_space<vmem>>
      %dma_wait3A_211 = tpu.memref_squeeze %dma_wait3A_210 : memref<1x128x128xf32, #tpu.memory_space<vmem>> -> memref<128x128xf32, #tpu.memory_space<vmem>>
      %dma_wait3A_212 = arith.constant 0 : i32
      %dma_wait3A_213 = tpu.memref_slice %arg5[%sub3A_204, %dma_wait3A_212] : memref<50x512xi32, #tpu.memory_space<vmem>> -> memref<1x512xi32, #tpu.memory_space<vmem>>
      %dma_wait3A_214 = tpu.memref_squeeze %dma_wait3A_213 : memref<1x512xi32, #tpu.memory_space<vmem>> -> memref<512xi32, #tpu.memory_space<vmem>>
      %dma_wait3A_215 = tpu.memref_slice %dma_wait3A_214[%mul3A_206] : memref<512xi32, #tpu.memory_space<vmem>> -> memref<128xi32, #tpu.memory_space<vmem>>
      %dma_wait3A_216 = arith.constant 0 : i32
      %dma_wait3A_217 = arith.constant 0 : i32
      %dma_wait3A_218 = tpu.memref_slice %arg3[%dma_wait3A_216, %dma_wait3A_217] : memref<1000000x128xf32, #tpu.memory_space<hbm>> -> memref<1000000x128xf32, #tpu.memory_space<hbm>>
      tpu.wait_indirect_dma semaphore(%arg8 : memref<!tpu.dma_semaphore, #tpu.memory_space<semaphore_mem>>) src(%dma_wait3A_218 : memref<1000000x128xf32, #tpu.memory_space<hbm>>) dst(%dma_wait3A_211 : memref<128x128xf32, #tpu.memory_space<vmem>>)
      %ge3A = arith.constant 2 : i32
      %ge3A_219 = arith.cmpi sge, %add3A_184, %ge3A : i32
      %convert_element_type3A = arith.extui %ge3A_219 : i1 to i32
      %cond3A = arith.constant 0 : i32
      %cond3A_220 = arith.cmpi ne, %convert_element_type3A, %cond3A : i32
      scf.if %cond3A_220 {
        %mul3A_440 = arith.constant 4 : i32
        %mul3A_441 = arith.muli %add3A, %mul3A_440 : i32
        %add3A_442 = arith.constant 0 : i32
        %add3A_443 = arith.addi %mul3A_441, %add3A_442 : i32
        %dma_wait3A_444 = arith.constant 0 : i32
        %dma_wait3A_445 = arith.constant 0 : i32
        %dma_wait3A_446 = arith.constant 0 : i32
        %dma_wait3A_447 = arith.constant 0 : i32
        %dma_wait3A_448 = arith.constant 0 : i32
        %dma_wait3A_449 = tpu.memref_slice %arg7[%dma_wait3A_444, %dma_wait3A_446, %dma_wait3A_447, %dma_wait3A_448] : memref<2x8x8x129xf32, #tpu.memory_space<vmem>> -> memref<1x8x8x129xf32, #tpu.memory_space<vmem>>
        %dma_wait3A_450 = tpu.memref_squeeze %dma_wait3A_449 : memref<1x8x8x129xf32, #tpu.memory_space<vmem>> -> memref<8x8x129xf32, #tpu.memory_space<vmem>>
        %dma_wait3A_451 = arith.constant 0 : i32
        %dma_wait3A_452 = arith.constant 0 : i32
        %dma_wait3A_453 = arith.constant 0 : i32
        %dma_wait3A_454 = tpu.memref_slice %dma_wait3A_450[%dma_wait3A_451, %dma_wait3A_452, %dma_wait3A_453] : memref<8x8x129xf32, #tpu.memory_space<vmem>> -> memref<8x8x128xf32, #tpu.memory_space<vmem>>
        %dma_wait3A_455 = arith.constant 0 : i32
        %dma_wait3A_456 = arith.constant 0 : i32
        %dma_wait3A_457 = arith.constant 0 : i32
        %dma_wait3A_458 = arith.constant 0 : i32
        %dma_wait3A_459 = tpu.memref_slice %arg4[%dma_wait3A_445, %dma_wait3A_455, %dma_wait3A_456, %dma_wait3A_457, %dma_wait3A_458] : memref<50x8x128x8x128xf32, #tpu.memory_space<hbm>> -> memref<1x8x128x8x128xf32, #tpu.memory_space<hbm>>
        %dma_wait3A_460 = tpu.memref_squeeze %dma_wait3A_459 : memref<1x8x128x8x128xf32, #tpu.memory_space<hbm>> -> memref<8x128x8x128xf32, #tpu.memory_space<hbm>>
        %dma_wait3A_461 = arith.constant 0 : i32
        %dma_wait3A_462 = arith.constant 0 : i32
        %dma_wait3A_463 = arith.constant 0 : i32
        %dma_wait3A_464 = tpu.memref_slice %dma_wait3A_460[%dma_wait3A_461, %add3A_443, %dma_wait3A_462, %dma_wait3A_463] : memref<8x128x8x128xf32, #tpu.memory_space<hbm>> -> memref<8x1x8x128xf32, #tpu.memory_space<hbm>>
        %dma_wait3A_465 = tpu.memref_squeeze %dma_wait3A_464 : memref<8x1x8x128xf32, #tpu.memory_space<hbm>> -> memref<8x8x128xf32, #tpu.memory_space<hbm>>
        %dma_wait3A_466 = arith.constant 0 : i32
        %dma_wait3A_467 = arith.constant 0 : i32
        %dma_wait3A_468 = arith.constant 0 : i32
        %dma_wait3A_469 = arith.constant 0 : i32
        %dma_wait3A_470 = tpu.memref_slice %arg4[%dma_wait3A_445, %dma_wait3A_466, %dma_wait3A_467, %dma_wait3A_468, %dma_wait3A_469] : memref<50x8x128x8x128xf32, #tpu.memory_space<hbm>> -> memref<1x8x128x8x128xf32, #tpu.memory_space<hbm>>
        %dma_wait3A_471 = tpu.memref_squeeze %dma_wait3A_470 : memref<1x8x128x8x128xf32, #tpu.memory_space<hbm>> -> memref<8x128x8x128xf32, #tpu.memory_space<hbm>>
        %dma_wait3A_472 = arith.constant 0 : i32
        %dma_wait3A_473 = arith.constant 0 : i32
        %dma_wait3A_474 = arith.constant 0 : i32
        %dma_wait3A_475 = tpu.memref_slice %dma_wait3A_471[%dma_wait3A_472, %add3A_443, %dma_wait3A_473, %dma_wait3A_474] : memref<8x128x8x128xf32, #tpu.memory_space<hbm>> -> memref<8x1x8x128xf32, #tpu.memory_space<hbm>>
        %dma_wait3A_476 = tpu.memref_squeeze %dma_wait3A_475 : memref<8x1x8x128xf32, #tpu.memory_space<hbm>> -> memref<8x8x128xf32, #tpu.memory_space<hbm>>
        %dma_wait3A_477 = arith.constant 0 : i32
        %dma_wait3A_478 = arith.constant 0 : i32
        %dma_wait3A_479 = arith.constant 0 : i32
        %dma_wait3A_480 = tpu.memref_slice %arg7[%dma_wait3A_444, %dma_wait3A_477, %dma_wait3A_478, %dma_wait3A_479] : memref<2x8x8x129xf32, #tpu.memory_space<vmem>> -> memref<1x8x8x129xf32, #tpu.memory_space<vmem>>
        %dma_wait3A_481 = tpu.memref_squeeze %dma_wait3A_480 : memref<1x8x8x129xf32, #tpu.memory_space<vmem>> -> memref<8x8x129xf32, #tpu.memory_space<vmem>>
        %dma_wait3A_482 = arith.constant 0 : i32
        %dma_wait3A_483 = arith.constant 0 : i32
        %dma_wait3A_484 = arith.constant 0 : i32
        %dma_wait3A_485 = tpu.memref_slice %dma_wait3A_481[%dma_wait3A_482, %dma_wait3A_483, %dma_wait3A_484] : memref<8x8x129xf32, #tpu.memory_space<vmem>> -> memref<8x8x128xf32, #tpu.memory_space<vmem>>
        tpu.wait_dma2 semaphore(%arg10 : memref<!tpu.dma_semaphore, #tpu.memory_space<semaphore_mem>>) src(%dma_wait3A_485 : memref<8x8x128xf32, #tpu.memory_space<vmem>>) dst(%dma_wait3A_476 : memref<8x8x128xf32, #tpu.memory_space<hbm>>)
      } else {
      }
      %scan3A_221 = arith.constant 0 : i32
      %scan3A_222 = arith.constant 0 : i32
      %scan3A_223 = arith.constant 0 : i32
      %scan3A_224 = arith.constant 0 : i32
      %scan3A_225 = arith.constant 128 : i32
      %scan3A_226 = arith.addi %scan3A_224, %scan3A_225 : i32
      %scan3A_227 = arith.constant 1 : i32
      scf.for %scan3A_440 = %scan3A_224 to %scan3A_226 step %scan3A_227  : i32 {
        %broadcast_in_dim3A = vector.broadcast %scan3A_440 : i32 to vector<16xi32>
        %get3A = arith.constant 0 : i32
        %get3A_441 = arith.constant 0 : i32
        %get3A_442 = tpu.memref_slice %arg6[%scan3A_222, %get3A, %get3A_441] : memref<2x128x128xf32, #tpu.memory_space<vmem>> -> memref<1x128x128xf32, #tpu.memory_space<vmem>>
        %get3A_443 = tpu.memref_squeeze %get3A_442 : memref<1x128x128xf32, #tpu.memory_space<vmem>> -> memref<128x128xf32, #tpu.memory_space<vmem>>
        %get3A_444 = arith.index_cast %scan3A_440 : i32 to index
        %get3A_445 = arith.constant 0 : index
        %get3A_446 = tpu.vector_load %get3A_443[%get3A_444, %get3A_445] {strides = array<i32>} : memref<128x128xf32, #tpu.memory_space<vmem>>, vector<16xf32>,
        %scatter3A = arith.constant 0 : i32
        %scatter3A_447 = arith.constant 0 : i32
        %scatter3A_448 = arith.constant 0 : i32
        %scatter3A_449 = tpu.memref_slice %arg7[%scan3A_223, %scatter3A, %scatter3A_447, %scatter3A_448] : memref<2x8x8x129xf32, #tpu.memory_space<vmem>> -> memref<1x8x8x129xf32, #tpu.memory_space<vmem>>
        %scatter3A_450 = tpu.memref_squeeze %scatter3A_449 : memref<1x8x8x129xf32, #tpu.memory_space<vmem>> -> memref<8x8x129xf32, #tpu.memory_space<vmem>>
        tpu.vector_store_idx %scatter3A_450[%shift_right_arithmetic3A_8, %and3A_35, %broadcast_in_dim3A], %get3A_446 : memref<8x8x129xf32, #tpu.memory_space<vmem>>[vector<16xi32>, vector<16xi32>, vector<16xi32>], vector<16xf32>,
        %get3A_451 = arith.constant 0 : i32
        %get3A_452 = arith.constant 0 : i32
        %get3A_453 = tpu.memref_slice %arg6[%scan3A_222, %get3A_451, %get3A_452] : memref<2x128x128xf32, #tpu.memory_space<vmem>> -> memref<1x128x128xf32, #tpu.memory_space<vmem>>
        %get3A_454 = tpu.memref_squeeze %get3A_453 : memref<1x128x128xf32, #tpu.memory_space<vmem>> -> memref<128x128xf32, #tpu.memory_space<vmem>>
        %get3A_455 = arith.index_cast %scan3A_440 : i32 to index
        %get3A_456 = arith.constant 16 : index
        %get3A_457 = tpu.vector_load %get3A_454[%get3A_455, %get3A_456] {strides = array<i32>} : memref<128x128xf32, #tpu.memory_space<vmem>>, vector<16xf32>,
        %scatter3A_458 = arith.constant 0 : i32
        %scatter3A_459 = arith.constant 0 : i32
        %scatter3A_460 = arith.constant 0 : i32
        %scatter3A_461 = tpu.memref_slice %arg7[%scan3A_223, %scatter3A_458, %scatter3A_459, %scatter3A_460] : memref<2x8x8x129xf32, #tpu.memory_space<vmem>> -> memref<1x8x8x129xf32, #tpu.memory_space<vmem>>
        %scatter3A_462 = tpu.memref_squeeze %scatter3A_461 : memref<1x8x8x129xf32, #tpu.memory_space<vmem>> -> memref<8x8x129xf32, #tpu.memory_space<vmem>>
        tpu.vector_store_idx %scatter3A_462[%shift_right_arithmetic3A_15, %and3A_42, %broadcast_in_dim3A], %get3A_457 : memref<8x8x129xf32, #tpu.memory_space<vmem>>[vector<16xi32>, vector<16xi32>, vector<16xi32>], vector<16xf32>,
        %get3A_463 = arith.constant 0 : i32
        %get3A_464 = arith.constant 0 : i32
        %get3A_465 = tpu.memref_slice %arg6[%scan3A_222, %get3A_463, %get3A_464] : memref<2x128x128xf32, #tpu.memory_space<vmem>> -> memref<1x128x128xf32, #tpu.memory_space<vmem>>
        %get3A_466 = tpu.memref_squeeze %get3A_465 : memref<1x128x128xf32, #tpu.memory_space<vmem>> -> memref<128x128xf32, #tpu.memory_space<vmem>>
        %get3A_467 = arith.index_cast %scan3A_440 : i32 to index
        %get3A_468 = arith.constant 32 : index
        %get3A_469 = tpu.vector_load %get3A_466[%get3A_467, %get3A_468] {strides = array<i32>} : memref<128x128xf32, #tpu.memory_space<vmem>>, vector<16xf32>,
        %scatter3A_470 = arith.constant 0 : i32
        %scatter3A_471 = arith.constant 0 : i32
        %scatter3A_472 = arith.constant 0 : i32
        %scatter3A_473 = tpu.memref_slice %arg7[%scan3A_223, %scatter3A_470, %scatter3A_471, %scatter3A_472] : memref<2x8x8x129xf32, #tpu.memory_space<vmem>> -> memref<1x8x8x129xf32, #tpu.memory_space<vmem>>
        %scatter3A_474 = tpu.memref_squeeze %scatter3A_473 : memref<1x8x8x129xf32, #tpu.memory_space<vmem>> -> memref<8x8x129xf32, #tpu.memory_space<vmem>>
        tpu.vector_store_idx %scatter3A_474[%shift_right_arithmetic3A_22, %and3A_49, %broadcast_in_dim3A], %get3A_469 : memref<8x8x129xf32, #tpu.memory_space<vmem>>[vector<16xi32>, vector<16xi32>, vector<16xi32>], vector<16xf32>,
        %get3A_475 = arith.constant 0 : i32
        %get3A_476 = arith.constant 0 : i32
        %get3A_477 = tpu.memref_slice %arg6[%scan3A_222, %get3A_475, %get3A_476] : memref<2x128x128xf32, #tpu.memory_space<vmem>> -> memref<1x128x128xf32, #tpu.memory_space<vmem>>
        %get3A_478 = tpu.memref_squeeze %get3A_477 : memref<1x128x128xf32, #tpu.memory_space<vmem>> -> memref<128x128xf32, #tpu.memory_space<vmem>>
        %get3A_479 = arith.index_cast %scan3A_440 : i32 to index
        %get3A_480 = arith.constant 48 : index
        %get3A_481 = tpu.vector_load %get3A_478[%get3A_479, %get3A_480] {strides = array<i32>} : memref<128x128xf32, #tpu.memory_space<vmem>>, vector<16xf32>,
        %scatter3A_482 = arith.constant 0 : i32
        %scatter3A_483 = arith.constant 0 : i32
        %scatter3A_484 = arith.constant 0 : i32
        %scatter3A_485 = tpu.memref_slice %arg7[%scan3A_223, %scatter3A_482, %scatter3A_483, %scatter3A_484] : memref<2x8x8x129xf32, #tpu.memory_space<vmem>> -> memref<1x8x8x129xf32, #tpu.memory_space<vmem>>
        %scatter3A_486 = tpu.memref_squeeze %scatter3A_485 : memref<1x8x8x129xf32, #tpu.memory_space<vmem>> -> memref<8x8x129xf32, #tpu.memory_space<vmem>>
        tpu.vector_store_idx %scatter3A_486[%shift_right_arithmetic3A_29, %and3A_56, %broadcast_in_dim3A], %get3A_481 : memref<8x8x129xf32, #tpu.memory_space<vmem>>[vector<16xi32>, vector<16xi32>, vector<16xi32>], vector<16xf32>,
      }
      %scan3A_228 = arith.constant 128 : i32
      %add3A_229 = arith.constant 2 : i32
      %add3A_230 = arith.addi %add3A_184, %add3A_229 : i32
      %lt3A = arith.constant 200 : i32
      %lt3A_231 = arith.cmpi slt, %add3A_230, %lt3A : i32
      %convert_element_type3A_232 = arith.extui %lt3A_231 : i1 to i32
      %cond3A_233 = arith.constant 0 : i32
      %cond3A_234 = arith.cmpi ne, %convert_element_type3A_232, %cond3A_233 : i32
      scf.if %cond3A_234 {
        %add3A_440 = arith.constant 2 : i32
        %add3A_441 = arith.addi %add3A_184, %add3A_440 : i32
        %jit3A_442 = arith.constant 50 : i32
        %div3A_443 = arith.divsi %add3A_441, %jit3A_442 : i32
        %sign3A_444 = arith.constant 0 : i32
        %sign3A_445 = arith.cmpi sgt, %add3A_441, %sign3A_444 : i32
        %sign3A_446 = arith.extui %sign3A_445 : i1 to i32
        %sign3A_447 = arith.constant 0 : i32
        %sign3A_448 = arith.cmpi slt, %add3A_441, %sign3A_447 : i32
        %sign3A_449 = arith.extui %sign3A_448 : i1 to i32
        %sign3A_450 = arith.subi %sign3A_446, %sign3A_449 : i32
        %sign3A_451 = arith.constant 0 : i32
        %sign3A_452 = arith.cmpi sgt, %jit3A_442, %sign3A_451 : i32
        %sign3A_453 = arith.extui %sign3A_452 : i1 to i32
        %sign3A_454 = arith.constant 0 : i32
        %sign3A_455 = arith.cmpi slt, %jit3A_442, %sign3A_454 : i32
        %sign3A_456 = arith.extui %sign3A_455 : i1 to i32
        %sign3A_457 = arith.subi %sign3A_453, %sign3A_456 : i32
        %ne3A_458 = arith.cmpi ne, %sign3A_450, %sign3A_457 : i32
        %rem3A_459 = arith.remsi %add3A_441, %jit3A_442 : i32
        %ne3A_460 = arith.constant 0 : i32
        %ne3A_461 = arith.cmpi ne, %rem3A_459, %ne3A_460 : i32
        %and3A_462 = arith.andi %ne3A_458, %ne3A_461 : i1
        %sub3A_463 = arith.constant 1 : i32
        %sub3A_464 = arith.subi %div3A_443, %sub3A_463 : i32
        %select_n3A_465 = arith.select %and3A_462, %sub3A_464, %div3A_443 : i32
        %mul3A_466 = arith.constant 50 : i32
        %mul3A_467 = arith.muli %select_n3A_465, %mul3A_466 : i32
        %sub3A_468 = arith.subi %add3A_441, %mul3A_467 : i32
        %mul3A_469 = arith.constant 128 : i32
        %mul3A_470 = arith.muli %select_n3A_465, %mul3A_469 : i32
        %dma_start3A_471 = arith.constant 0 : i32
        %dma_start3A_472 = arith.constant 0 : i32
        %dma_start3A_473 = arith.constant 0 : i32
        %dma_start3A_474 = tpu.memref_slice %arg6[%dma_start3A_471, %dma_start3A_472, %dma_start3A_473] : memref<2x128x128xf32, #tpu.memory_space<vmem>> -> memref<1x128x128xf32, #tpu.memory_space<vmem>>
        %dma_start3A_475 = tpu.memref_squeeze %dma_start3A_474 : memref<1x128x128xf32, #tpu.memory_space<vmem>> -> memref<128x128xf32, #tpu.memory_space<vmem>>
        %dma_start3A_476 = arith.constant 0 : i32
        %dma_start3A_477 = tpu.memref_slice %arg5[%sub3A_468, %dma_start3A_476] : memref<50x512xi32, #tpu.memory_space<vmem>> -> memref<1x512xi32, #tpu.memory_space<vmem>>
        %dma_start3A_478 = tpu.memref_squeeze %dma_start3A_477 : memref<1x512xi32, #tpu.memory_space<vmem>> -> memref<512xi32, #tpu.memory_space<vmem>>
        %dma_start3A_479 = tpu.memref_slice %dma_start3A_478[%mul3A_470] : memref<512xi32, #tpu.memory_space<vmem>> -> memref<128xi32, #tpu.memory_space<vmem>>
        %dma_start3A_480 = arith.constant 0 : i32
        %dma_start3A_481 = arith.constant 0 : i32
        %dma_start3A_482 = tpu.memref_slice %arg3[%dma_start3A_480, %dma_start3A_481] : memref<1000000x128xf32, #tpu.memory_space<hbm>> -> memref<1000000x128xf32, #tpu.memory_space<hbm>>
        tpu.enqueue_indirect_dma source(%dma_start3A_482 : memref<1000000x128xf32, #tpu.memory_space<hbm>>) target(%dma_start3A_475 : memref<128x128xf32, #tpu.memory_space<vmem>>) offsets(%dma_start3A_479 : memref<128xi32, #tpu.memory_space<vmem>>) semaphore(%arg8 : memref<!tpu.dma_semaphore, #tpu.memory_space<semaphore_mem>>)
      } else {
      }
      %jit3A_235 = arith.constant 50 : i32
      %div3A_236 = arith.divsi %add3A_184, %jit3A_235 : i32
      %sign3A_237 = arith.constant 0 : i32
      %sign3A_238 = arith.cmpi sgt, %add3A_184, %sign3A_237 : i32
      %sign3A_239 = arith.extui %sign3A_238 : i1 to i32
      %sign3A_240 = arith.constant 0 : i32
      %sign3A_241 = arith.cmpi slt, %add3A_184, %sign3A_240 : i32
      %sign3A_242 = arith.extui %sign3A_241 : i1 to i32
      %sign3A_243 = arith.subi %sign3A_239, %sign3A_242 : i32
      %sign3A_244 = arith.constant 0 : i32
      %sign3A_245 = arith.cmpi sgt, %jit3A_235, %sign3A_244 : i32
      %sign3A_246 = arith.extui %sign3A_245 : i1 to i32
      %sign3A_247 = arith.constant 0 : i32
      %sign3A_248 = arith.cmpi slt, %jit3A_235, %sign3A_247 : i32
      %sign3A_249 = arith.extui %sign3A_248 : i1 to i32
      %sign3A_250 = arith.subi %sign3A_246, %sign3A_249 : i32
      %ne3A_251 = arith.cmpi ne, %sign3A_243, %sign3A_250 : i32
      %rem3A_252 = arith.remsi %add3A_184, %jit3A_235 : i32
      %ne3A_253 = arith.constant 0 : i32
      %ne3A_254 = arith.cmpi ne, %rem3A_252, %ne3A_253 : i32
      %and3A_255 = arith.andi %ne3A_251, %ne3A_254 : i1
      %sub3A_256 = arith.constant 1 : i32
      %sub3A_257 = arith.subi %div3A_236, %sub3A_256 : i32
      %select_n3A_258 = arith.select %and3A_255, %sub3A_257, %div3A_236 : i32
      %mul3A_259 = arith.constant 50 : i32
      %mul3A_260 = arith.muli %select_n3A_258, %mul3A_259 : i32
      %sub3A_261 = arith.subi %add3A_184, %mul3A_260 : i32
      %mul3A_262 = arith.constant 4 : i32
      %mul3A_263 = arith.muli %add3A, %mul3A_262 : i32
      %add3A_264 = arith.addi %mul3A_263, %select_n3A_258 : i32
      %dma_start3A_265 = arith.constant 0 : i32
      %dma_start3A_266 = arith.constant 0 : i32
      %dma_start3A_267 = arith.constant 0 : i32
      %dma_start3A_268 = arith.constant 0 : i32
      %dma_start3A_269 = tpu.memref_slice %arg7[%dma_start3A_265, %dma_start3A_266, %dma_start3A_267, %dma_start3A_268] : memref<2x8x8x129xf32, #tpu.memory_space<vmem>> -> memref<1x8x8x129xf32, #tpu.memory_space<vmem>>
      %dma_start3A_270 = tpu.memref_squeeze %dma_start3A_269 : memref<1x8x8x129xf32, #tpu.memory_space<vmem>> -> memref<8x8x129xf32, #tpu.memory_space<vmem>>
      %dma_start3A_271 = arith.constant 0 : i32
      %dma_start3A_272 = arith.constant 0 : i32
      %dma_start3A_273 = arith.constant 0 : i32
      %dma_start3A_274 = tpu.memref_slice %dma_start3A_270[%dma_start3A_271, %dma_start3A_272, %dma_start3A_273] : memref<8x8x129xf32, #tpu.memory_space<vmem>> -> memref<8x8x128xf32, #tpu.memory_space<vmem>>
      %dma_start3A_275 = arith.constant 0 : i32
      %dma_start3A_276 = arith.constant 0 : i32
      %dma_start3A_277 = arith.constant 0 : i32
      %dma_start3A_278 = arith.constant 0 : i32
      %dma_start3A_279 = tpu.memref_slice %arg4[%sub3A_261, %dma_start3A_275, %dma_start3A_276, %dma_start3A_277, %dma_start3A_278] : memref<50x8x128x8x128xf32, #tpu.memory_space<hbm>> -> memref<1x8x128x8x128xf32, #tpu.memory_space<hbm>>
      %dma_start3A_280 = tpu.memref_squeeze %dma_start3A_279 : memref<1x8x128x8x128xf32, #tpu.memory_space<hbm>> -> memref<8x128x8x128xf32, #tpu.memory_space<hbm>>
      %dma_start3A_281 = arith.constant 0 : i32
      %dma_start3A_282 = arith.constant 0 : i32
      %dma_start3A_283 = arith.constant 0 : i32
      %dma_start3A_284 = tpu.memref_slice %dma_start3A_280[%dma_start3A_281, %add3A_264, %dma_start3A_282, %dma_start3A_283] : memref<8x128x8x128xf32, #tpu.memory_space<hbm>> -> memref<8x1x8x128xf32, #tpu.memory_space<hbm>>
      %dma_start3A_285 = tpu.memref_squeeze %dma_start3A_284 : memref<8x1x8x128xf32, #tpu.memory_space<hbm>> -> memref<8x8x128xf32, #tpu.memory_space<hbm>>
      %dma_start3A_286 = arith.constant 0 : i32
      %dma_start3A_287 = arith.constant 0 : i32
      %dma_start3A_288 = arith.constant 0 : i32
      %dma_start3A_289 = arith.constant 0 : i32
      %dma_start3A_290 = tpu.memref_slice %arg4[%sub3A_261, %dma_start3A_286, %dma_start3A_287, %dma_start3A_288, %dma_start3A_289] : memref<50x8x128x8x128xf32, #tpu.memory_space<hbm>> -> memref<1x8x128x8x128xf32, #tpu.memory_space<hbm>>
      %dma_start3A_291 = tpu.memref_squeeze %dma_start3A_290 : memref<1x8x128x8x128xf32, #tpu.memory_space<hbm>> -> memref<8x128x8x128xf32, #tpu.memory_space<hbm>>
      %dma_start3A_292 = arith.constant 0 : i32
      %dma_start3A_293 = arith.constant 0 : i32
      %dma_start3A_294 = arith.constant 0 : i32
      %dma_start3A_295 = tpu.memref_slice %dma_start3A_291[%dma_start3A_292, %add3A_264, %dma_start3A_293, %dma_start3A_294] : memref<8x128x8x128xf32, #tpu.memory_space<hbm>> -> memref<8x1x8x128xf32, #tpu.memory_space<hbm>>
      %dma_start3A_296 = tpu.memref_squeeze %dma_start3A_295 : memref<8x1x8x128xf32, #tpu.memory_space<hbm>> -> memref<8x8x128xf32, #tpu.memory_space<hbm>>
      %dma_start3A_297 = arith.constant 0 : i32
      %dma_start3A_298 = arith.constant 0 : i32
      %dma_start3A_299 = arith.constant 0 : i32
      %dma_start3A_300 = tpu.memref_slice %arg7[%dma_start3A_265, %dma_start3A_297, %dma_start3A_298, %dma_start3A_299] : memref<2x8x8x129xf32, #tpu.memory_space<vmem>> -> memref<1x8x8x129xf32, #tpu.memory_space<vmem>>
      %dma_start3A_301 = tpu.memref_squeeze %dma_start3A_300 : memref<1x8x8x129xf32, #tpu.memory_space<vmem>> -> memref<8x8x129xf32, #tpu.memory_space<vmem>>
      %dma_start3A_302 = arith.constant 0 : i32
      %dma_start3A_303 = arith.constant 0 : i32
      %dma_start3A_304 = arith.constant 0 : i32
      %dma_start3A_305 = tpu.memref_slice %dma_start3A_301[%dma_start3A_302, %dma_start3A_303, %dma_start3A_304] : memref<8x8x129xf32, #tpu.memory_space<vmem>> -> memref<8x8x128xf32, #tpu.memory_space<vmem>>
      tpu.enqueue_dma source(%dma_start3A_305 : memref<8x8x128xf32, #tpu.memory_space<vmem>>) target(%dma_start3A_296 : memref<8x8x128xf32, #tpu.memory_space<hbm>>) target_semaphore(%arg10 : memref<!tpu.dma_semaphore, #tpu.memory_space<semaphore_mem>>)
      %add3A_306 = arith.constant 1 : i32
      %add3A_307 = arith.addi %mul3A_182, %add3A_306 : i32
      %jit3A_308 = arith.constant 50 : i32
      %div3A_309 = arith.divsi %add3A_307, %jit3A_308 : i32
      %sign3A_310 = arith.constant 0 : i32
      %sign3A_311 = arith.cmpi sgt, %add3A_307, %sign3A_310 : i32
      %sign3A_312 = arith.extui %sign3A_311 : i1 to i32
      %sign3A_313 = arith.constant 0 : i32
      %sign3A_314 = arith.cmpi slt, %add3A_307, %sign3A_313 : i32
      %sign3A_315 = arith.extui %sign3A_314 : i1 to i32
      %sign3A_316 = arith.subi %sign3A_312, %sign3A_315 : i32
      %sign3A_317 = arith.constant 0 : i32
      %sign3A_318 = arith.cmpi sgt, %jit3A_308, %sign3A_317 : i32
      %sign3A_319 = arith.extui %sign3A_318 : i1 to i32
      %sign3A_320 = arith.constant 0 : i32
      %sign3A_321 = arith.cmpi slt, %jit3A_308, %sign3A_320 : i32
      %sign3A_322 = arith.extui %sign3A_321 : i1 to i32
      %sign3A_323 = arith.subi %sign3A_319, %sign3A_322 : i32
      %ne3A_324 = arith.cmpi ne, %sign3A_316, %sign3A_323 : i32
      %rem3A_325 = arith.remsi %add3A_307, %jit3A_308 : i32
      %ne3A_326 = arith.constant 0 : i32
      %ne3A_327 = arith.cmpi ne, %rem3A_325, %ne3A_326 : i32
      %and3A_328 = arith.andi %ne3A_324, %ne3A_327 : i1
      %sub3A_329 = arith.constant 1 : i32
      %sub3A_330 = arith.subi %div3A_309, %sub3A_329 : i32
      %select_n3A_331 = arith.select %and3A_328, %sub3A_330, %div3A_309 : i32
      %mul3A_332 = arith.constant 50 : i32
      %mul3A_333 = arith.muli %select_n3A_331, %mul3A_332 : i32
      %sub3A_334 = arith.subi %add3A_307, %mul3A_333 : i32
      %mul3A_335 = arith.constant 128 : i32
      %mul3A_336 = arith.muli %select_n3A_331, %mul3A_335 : i32
      %dma_wait3A_337 = arith.constant 1 : i32
      %dma_wait3A_338 = arith.constant 0 : i32
      %dma_wait3A_339 = arith.constant 0 : i32
      %dma_wait3A_340 = tpu.memref_slice %arg6[%dma_wait3A_337, %dma_wait3A_338, %dma_wait3A_339] : memref<2x128x128xf32, #tpu.memory_space<vmem>> -> memref<1x128x128xf32, #tpu.memory_space<vmem>>
      %dma_wait3A_341 = tpu.memref_squeeze %dma_wait3A_340 : memref<1x128x128xf32, #tpu.memory_space<vmem>> -> memref<128x128xf32, #tpu.memory_space<vmem>>
      %dma_wait3A_342 = arith.constant 0 : i32
      %dma_wait3A_343 = tpu.memref_slice %arg5[%sub3A_334, %dma_wait3A_342] : memref<50x512xi32, #tpu.memory_space<vmem>> -> memref<1x512xi32, #tpu.memory_space<vmem>>
      %dma_wait3A_344 = tpu.memref_squeeze %dma_wait3A_343 : memref<1x512xi32, #tpu.memory_space<vmem>> -> memref<512xi32, #tpu.memory_space<vmem>>
      %dma_wait3A_345 = tpu.memref_slice %dma_wait3A_344[%mul3A_336] : memref<512xi32, #tpu.memory_space<vmem>> -> memref<128xi32, #tpu.memory_space<vmem>>
      %dma_wait3A_346 = arith.constant 0 : i32
      %dma_wait3A_347 = arith.constant 0 : i32
      %dma_wait3A_348 = tpu.memref_slice %arg3[%dma_wait3A_346, %dma_wait3A_347] : memref<1000000x128xf32, #tpu.memory_space<hbm>> -> memref<1000000x128xf32, #tpu.memory_space<hbm>>
      tpu.wait_indirect_dma semaphore(%arg9 : memref<!tpu.dma_semaphore, #tpu.memory_space<semaphore_mem>>) src(%dma_wait3A_348 : memref<1000000x128xf32, #tpu.memory_space<hbm>>) dst(%dma_wait3A_341 : memref<128x128xf32, #tpu.memory_space<vmem>>)
      %ge3A_349 = arith.constant 2 : i32
      %ge3A_350 = arith.cmpi sge, %add3A_307, %ge3A_349 : i32
      %convert_element_type3A_351 = arith.extui %ge3A_350 : i1 to i32
      %cond3A_352 = arith.constant 0 : i32
      %cond3A_353 = arith.cmpi ne, %convert_element_type3A_351, %cond3A_352 : i32
      scf.if %cond3A_353 {
        %mul3A_440 = arith.constant 4 : i32
        %mul3A_441 = arith.muli %add3A, %mul3A_440 : i32
        %add3A_442 = arith.constant 0 : i32
        %add3A_443 = arith.addi %mul3A_441, %add3A_442 : i32
        %dma_wait3A_444 = arith.constant 1 : i32
        %dma_wait3A_445 = arith.constant 0 : i32
        %dma_wait3A_446 = arith.constant 0 : i32
        %dma_wait3A_447 = arith.constant 0 : i32
        %dma_wait3A_448 = arith.constant 0 : i32
        %dma_wait3A_449 = tpu.memref_slice %arg7[%dma_wait3A_444, %dma_wait3A_446, %dma_wait3A_447, %dma_wait3A_448] : memref<2x8x8x129xf32, #tpu.memory_space<vmem>> -> memref<1x8x8x129xf32, #tpu.memory_space<vmem>>
        %dma_wait3A_450 = tpu.memref_squeeze %dma_wait3A_449 : memref<1x8x8x129xf32, #tpu.memory_space<vmem>> -> memref<8x8x129xf32, #tpu.memory_space<vmem>>
        %dma_wait3A_451 = arith.constant 0 : i32
        %dma_wait3A_452 = arith.constant 0 : i32
        %dma_wait3A_453 = arith.constant 0 : i32
        %dma_wait3A_454 = tpu.memref_slice %dma_wait3A_450[%dma_wait3A_451, %dma_wait3A_452, %dma_wait3A_453] : memref<8x8x129xf32, #tpu.memory_space<vmem>> -> memref<8x8x128xf32, #tpu.memory_space<vmem>>
        %dma_wait3A_455 = arith.constant 0 : i32
        %dma_wait3A_456 = arith.constant 0 : i32
        %dma_wait3A_457 = arith.constant 0 : i32
        %dma_wait3A_458 = arith.constant 0 : i32
        %dma_wait3A_459 = tpu.memref_slice %arg4[%dma_wait3A_445, %dma_wait3A_455, %dma_wait3A_456, %dma_wait3A_457, %dma_wait3A_458] : memref<50x8x128x8x128xf32, #tpu.memory_space<hbm>> -> memref<1x8x128x8x128xf32, #tpu.memory_space<hbm>>
        %dma_wait3A_460 = tpu.memref_squeeze %dma_wait3A_459 : memref<1x8x128x8x128xf32, #tpu.memory_space<hbm>> -> memref<8x128x8x128xf32, #tpu.memory_space<hbm>>
        %dma_wait3A_461 = arith.constant 0 : i32
        %dma_wait3A_462 = arith.constant 0 : i32
        %dma_wait3A_463 = arith.constant 0 : i32
        %dma_wait3A_464 = tpu.memref_slice %dma_wait3A_460[%dma_wait3A_461, %add3A_443, %dma_wait3A_462, %dma_wait3A_463] : memref<8x128x8x128xf32, #tpu.memory_space<hbm>> -> memref<8x1x8x128xf32, #tpu.memory_space<hbm>>
        %dma_wait3A_465 = tpu.memref_squeeze %dma_wait3A_464 : memref<8x1x8x128xf32, #tpu.memory_space<hbm>> -> memref<8x8x128xf32, #tpu.memory_space<hbm>>
        %dma_wait3A_466 = arith.constant 0 : i32
        %dma_wait3A_467 = arith.constant 0 : i32
        %dma_wait3A_468 = arith.constant 0 : i32
        %dma_wait3A_469 = arith.constant 0 : i32
        %dma_wait3A_470 = tpu.memref_slice %arg4[%dma_wait3A_445, %dma_wait3A_466, %dma_wait3A_467, %dma_wait3A_468, %dma_wait3A_469] : memref<50x8x128x8x128xf32, #tpu.memory_space<hbm>> -> memref<1x8x128x8x128xf32, #tpu.memory_space<hbm>>
        %dma_wait3A_471 = tpu.memref_squeeze %dma_wait3A_470 : memref<1x8x128x8x128xf32, #tpu.memory_space<hbm>> -> memref<8x128x8x128xf32, #tpu.memory_space<hbm>>
        %dma_wait3A_472 = arith.constant 0 : i32
        %dma_wait3A_473 = arith.constant 0 : i32
        %dma_wait3A_474 = arith.constant 0 : i32
        %dma_wait3A_475 = tpu.memref_slice %dma_wait3A_471[%dma_wait3A_472, %add3A_443, %dma_wait3A_473, %dma_wait3A_474] : memref<8x128x8x128xf32, #tpu.memory_space<hbm>> -> memref<8x1x8x128xf32, #tpu.memory_space<hbm>>
        %dma_wait3A_476 = tpu.memref_squeeze %dma_wait3A_475 : memref<8x1x8x128xf32, #tpu.memory_space<hbm>> -> memref<8x8x128xf32, #tpu.memory_space<hbm>>
        %dma_wait3A_477 = arith.constant 0 : i32
        %dma_wait3A_478 = arith.constant 0 : i32
        %dma_wait3A_479 = arith.constant 0 : i32
        %dma_wait3A_480 = tpu.memref_slice %arg7[%dma_wait3A_444, %dma_wait3A_477, %dma_wait3A_478, %dma_wait3A_479] : memref<2x8x8x129xf32, #tpu.memory_space<vmem>> -> memref<1x8x8x129xf32, #tpu.memory_space<vmem>>
        %dma_wait3A_481 = tpu.memref_squeeze %dma_wait3A_480 : memref<1x8x8x129xf32, #tpu.memory_space<vmem>> -> memref<8x8x129xf32, #tpu.memory_space<vmem>>
        %dma_wait3A_482 = arith.constant 0 : i32
        %dma_wait3A_483 = arith.constant 0 : i32
        %dma_wait3A_484 = arith.constant 0 : i32
        %dma_wait3A_485 = tpu.memref_slice %dma_wait3A_481[%dma_wait3A_482, %dma_wait3A_483, %dma_wait3A_484] : memref<8x8x129xf32, #tpu.memory_space<vmem>> -> memref<8x8x128xf32, #tpu.memory_space<vmem>>
        tpu.wait_dma2 semaphore(%arg11 : memref<!tpu.dma_semaphore, #tpu.memory_space<semaphore_mem>>) src(%dma_wait3A_485 : memref<8x8x128xf32, #tpu.memory_space<vmem>>) dst(%dma_wait3A_476 : memref<8x8x128xf32, #tpu.memory_space<hbm>>)
      } else {
      }
      %scan3A_354 = arith.constant 0 : i32
      %scan3A_355 = arith.constant 1 : i32
      %scan3A_356 = arith.constant 1 : i32
      %scan3A_357 = arith.constant 0 : i32
      %scan3A_358 = arith.constant 128 : i32
      %scan3A_359 = arith.addi %scan3A_357, %scan3A_358 : i32
      %scan3A_360 = arith.constant 1 : i32
      scf.for %scan3A_440 = %scan3A_357 to %scan3A_359 step %scan3A_360  : i32 {
        %broadcast_in_dim3A = vector.broadcast %scan3A_440 : i32 to vector<16xi32>
        %get3A = arith.constant 0 : i32
        %get3A_441 = arith.constant 0 : i32
        %get3A_442 = tpu.memref_slice %arg6[%scan3A_355, %get3A, %get3A_441] : memref<2x128x128xf32, #tpu.memory_space<vmem>> -> memref<1x128x128xf32, #tpu.memory_space<vmem>>
        %get3A_443 = tpu.memref_squeeze %get3A_442 : memref<1x128x128xf32, #tpu.memory_space<vmem>> -> memref<128x128xf32, #tpu.memory_space<vmem>>
        %get3A_444 = arith.index_cast %scan3A_440 : i32 to index
        %get3A_445 = arith.constant 0 : index
        %get3A_446 = tpu.vector_load %get3A_443[%get3A_444, %get3A_445] {strides = array<i32>} : memref<128x128xf32, #tpu.memory_space<vmem>>, vector<16xf32>,
        %scatter3A = arith.constant 0 : i32
        %scatter3A_447 = arith.constant 0 : i32
        %scatter3A_448 = arith.constant 0 : i32
        %scatter3A_449 = tpu.memref_slice %arg7[%scan3A_356, %scatter3A, %scatter3A_447, %scatter3A_448] : memref<2x8x8x129xf32, #tpu.memory_space<vmem>> -> memref<1x8x8x129xf32, #tpu.memory_space<vmem>>
        %scatter3A_450 = tpu.memref_squeeze %scatter3A_449 : memref<1x8x8x129xf32, #tpu.memory_space<vmem>> -> memref<8x8x129xf32, #tpu.memory_space<vmem>>
        tpu.vector_store_idx %scatter3A_450[%shift_right_arithmetic3A_8, %and3A_35, %broadcast_in_dim3A], %get3A_446 : memref<8x8x129xf32, #tpu.memory_space<vmem>>[vector<16xi32>, vector<16xi32>, vector<16xi32>], vector<16xf32>,
        %get3A_451 = arith.constant 0 : i32
        %get3A_452 = arith.constant 0 : i32
        %get3A_453 = tpu.memref_slice %arg6[%scan3A_355, %get3A_451, %get3A_452] : memref<2x128x128xf32, #tpu.memory_space<vmem>> -> memref<1x128x128xf32, #tpu.memory_space<vmem>>
        %get3A_454 = tpu.memref_squeeze %get3A_453 : memref<1x128x128xf32, #tpu.memory_space<vmem>> -> memref<128x128xf32, #tpu.memory_space<vmem>>
        %get3A_455 = arith.index_cast %scan3A_440 : i32 to index
        %get3A_456 = arith.constant 16 : index
        %get3A_457 = tpu.vector_load %get3A_454[%get3A_455, %get3A_456] {strides = array<i32>} : memref<128x128xf32, #tpu.memory_space<vmem>>, vector<16xf32>,
        %scatter3A_458 = arith.constant 0 : i32
        %scatter3A_459 = arith.constant 0 : i32
        %scatter3A_460 = arith.constant 0 : i32
        %scatter3A_461 = tpu.memref_slice %arg7[%scan3A_356, %scatter3A_458, %scatter3A_459, %scatter3A_460] : memref<2x8x8x129xf32, #tpu.memory_space<vmem>> -> memref<1x8x8x129xf32, #tpu.memory_space<vmem>>
        %scatter3A_462 = tpu.memref_squeeze %scatter3A_461 : memref<1x8x8x129xf32, #tpu.memory_space<vmem>> -> memref<8x8x129xf32, #tpu.memory_space<vmem>>
        tpu.vector_store_idx %scatter3A_462[%shift_right_arithmetic3A_15, %and3A_42, %broadcast_in_dim3A], %get3A_457 : memref<8x8x129xf32, #tpu.memory_space<vmem>>[vector<16xi32>, vector<16xi32>, vector<16xi32>], vector<16xf32>,
        %get3A_463 = arith.constant 0 : i32
        %get3A_464 = arith.constant 0 : i32
        %get3A_465 = tpu.memref_slice %arg6[%scan3A_355, %get3A_463, %get3A_464] : memref<2x128x128xf32, #tpu.memory_space<vmem>> -> memref<1x128x128xf32, #tpu.memory_space<vmem>>
        %get3A_466 = tpu.memref_squeeze %get3A_465 : memref<1x128x128xf32, #tpu.memory_space<vmem>> -> memref<128x128xf32, #tpu.memory_space<vmem>>
        %get3A_467 = arith.index_cast %scan3A_440 : i32 to index
        %get3A_468 = arith.constant 32 : index
        %get3A_469 = tpu.vector_load %get3A_466[%get3A_467, %get3A_468] {strides = array<i32>} : memref<128x128xf32, #tpu.memory_space<vmem>>, vector<16xf32>,
        %scatter3A_470 = arith.constant 0 : i32
        %scatter3A_471 = arith.constant 0 : i32
        %scatter3A_472 = arith.constant 0 : i32
        %scatter3A_473 = tpu.memref_slice %arg7[%scan3A_356, %scatter3A_470, %scatter3A_471, %scatter3A_472] : memref<2x8x8x129xf32, #tpu.memory_space<vmem>> -> memref<1x8x8x129xf32, #tpu.memory_space<vmem>>
        %scatter3A_474 = tpu.memref_squeeze %scatter3A_473 : memref<1x8x8x129xf32, #tpu.memory_space<vmem>> -> memref<8x8x129xf32, #tpu.memory_space<vmem>>
        tpu.vector_store_idx %scatter3A_474[%shift_right_arithmetic3A_22, %and3A_49, %broadcast_in_dim3A], %get3A_469 : memref<8x8x129xf32, #tpu.memory_space<vmem>>[vector<16xi32>, vector<16xi32>, vector<16xi32>], vector<16xf32>,
        %get3A_475 = arith.constant 0 : i32
        %get3A_476 = arith.constant 0 : i32
        %get3A_477 = tpu.memref_slice %arg6[%scan3A_355, %get3A_475, %get3A_476] : memref<2x128x128xf32, #tpu.memory_space<vmem>> -> memref<1x128x128xf32, #tpu.memory_space<vmem>>
        %get3A_478 = tpu.memref_squeeze %get3A_477 : memref<1x128x128xf32, #tpu.memory_space<vmem>> -> memref<128x128xf32, #tpu.memory_space<vmem>>
        %get3A_479 = arith.index_cast %scan3A_440 : i32 to index
        %get3A_480 = arith.constant 48 : index
        %get3A_481 = tpu.vector_load %get3A_478[%get3A_479, %get3A_480] {strides = array<i32>} : memref<128x128xf32, #tpu.memory_space<vmem>>, vector<16xf32>,
        %scatter3A_482 = arith.constant 0 : i32
        %scatter3A_483 = arith.constant 0 : i32
        %scatter3A_484 = arith.constant 0 : i32
        %scatter3A_485 = tpu.memref_slice %arg7[%scan3A_356, %scatter3A_482, %scatter3A_483, %scatter3A_484] : memref<2x8x8x129xf32, #tpu.memory_space<vmem>> -> memref<1x8x8x129xf32, #tpu.memory_space<vmem>>
        %scatter3A_486 = tpu.memref_squeeze %scatter3A_485 : memref<1x8x8x129xf32, #tpu.memory_space<vmem>> -> memref<8x8x129xf32, #tpu.memory_space<vmem>>
        tpu.vector_store_idx %scatter3A_486[%shift_right_arithmetic3A_29, %and3A_56, %broadcast_in_dim3A], %get3A_481 : memref<8x8x129xf32, #tpu.memory_space<vmem>>[vector<16xi32>, vector<16xi32>, vector<16xi32>], vector<16xf32>,
      }
      %scan3A_361 = arith.constant 128 : i32
      %add3A_362 = arith.constant 2 : i32
      %add3A_363 = arith.addi %add3A_307, %add3A_362 : i32
      %lt3A_364 = arith.constant 200 : i32
      %lt3A_365 = arith.cmpi slt, %add3A_363, %lt3A_364 : i32
      %convert_element_type3A_366 = arith.extui %lt3A_365 : i1 to i32
      %cond3A_367 = arith.constant 0 : i32
      %cond3A_368 = arith.cmpi ne, %convert_element_type3A_366, %cond3A_367 : i32
      scf.if %cond3A_368 {
        %add3A_440 = arith.constant 2 : i32
        %add3A_441 = arith.addi %add3A_307, %add3A_440 : i32
        %jit3A_442 = arith.constant 50 : i32
        %div3A_443 = arith.divsi %add3A_441, %jit3A_442 : i32
        %sign3A_444 = arith.constant 0 : i32
        %sign3A_445 = arith.cmpi sgt, %add3A_441, %sign3A_444 : i32
        %sign3A_446 = arith.extui %sign3A_445 : i1 to i32
        %sign3A_447 = arith.constant 0 : i32
        %sign3A_448 = arith.cmpi slt, %add3A_441, %sign3A_447 : i32
        %sign3A_449 = arith.extui %sign3A_448 : i1 to i32
        %sign3A_450 = arith.subi %sign3A_446, %sign3A_449 : i32
        %sign3A_451 = arith.constant 0 : i32
        %sign3A_452 = arith.cmpi sgt, %jit3A_442, %sign3A_451 : i32
        %sign3A_453 = arith.extui %sign3A_452 : i1 to i32
        %sign3A_454 = arith.constant 0 : i32
        %sign3A_455 = arith.cmpi slt, %jit3A_442, %sign3A_454 : i32
        %sign3A_456 = arith.extui %sign3A_455 : i1 to i32
        %sign3A_457 = arith.subi %sign3A_453, %sign3A_456 : i32
        %ne3A_458 = arith.cmpi ne, %sign3A_450, %sign3A_457 : i32
        %rem3A_459 = arith.remsi %add3A_441, %jit3A_442 : i32
        %ne3A_460 = arith.constant 0 : i32
        %ne3A_461 = arith.cmpi ne, %rem3A_459, %ne3A_460 : i32
        %and3A_462 = arith.andi %ne3A_458, %ne3A_461 : i1
        %sub3A_463 = arith.constant 1 : i32
        %sub3A_464 = arith.subi %div3A_443, %sub3A_463 : i32
        %select_n3A_465 = arith.select %and3A_462, %sub3A_464, %div3A_443 : i32
        %mul3A_466 = arith.constant 50 : i32
        %mul3A_467 = arith.muli %select_n3A_465, %mul3A_466 : i32
        %sub3A_468 = arith.subi %add3A_441, %mul3A_467 : i32
        %mul3A_469 = arith.constant 128 : i32
        %mul3A_470 = arith.muli %select_n3A_465, %mul3A_469 : i32
        %dma_start3A_471 = arith.constant 1 : i32
        %dma_start3A_472 = arith.constant 0 : i32
        %dma_start3A_473 = arith.constant 0 : i32
        %dma_start3A_474 = tpu.memref_slice %arg6[%dma_start3A_471, %dma_start3A_472, %dma_start3A_473] : memref<2x128x128xf32, #tpu.memory_space<vmem>> -> memref<1x128x128xf32, #tpu.memory_space<vmem>>
        %dma_start3A_475 = tpu.memref_squeeze %dma_start3A_474 : memref<1x128x128xf32, #tpu.memory_space<vmem>> -> memref<128x128xf32, #tpu.memory_space<vmem>>
        %dma_start3A_476 = arith.constant 0 : i32
        %dma_start3A_477 = tpu.memref_slice %arg5[%sub3A_468, %dma_start3A_476] : memref<50x512xi32, #tpu.memory_space<vmem>> -> memref<1x512xi32, #tpu.memory_space<vmem>>
        %dma_start3A_478 = tpu.memref_squeeze %dma_start3A_477 : memref<1x512xi32, #tpu.memory_space<vmem>> -> memref<512xi32, #tpu.memory_space<vmem>>
        %dma_start3A_479 = tpu.memref_slice %dma_start3A_478[%mul3A_470] : memref<512xi32, #tpu.memory_space<vmem>> -> memref<128xi32, #tpu.memory_space<vmem>>
        %dma_start3A_480 = arith.constant 0 : i32
        %dma_start3A_481 = arith.constant 0 : i32
        %dma_start3A_482 = tpu.memref_slice %arg3[%dma_start3A_480, %dma_start3A_481] : memref<1000000x128xf32, #tpu.memory_space<hbm>> -> memref<1000000x128xf32, #tpu.memory_space<hbm>>
        tpu.enqueue_indirect_dma source(%dma_start3A_482 : memref<1000000x128xf32, #tpu.memory_space<hbm>>) target(%dma_start3A_475 : memref<128x128xf32, #tpu.memory_space<vmem>>) offsets(%dma_start3A_479 : memref<128xi32, #tpu.memory_space<vmem>>) semaphore(%arg9 : memref<!tpu.dma_semaphore, #tpu.memory_space<semaphore_mem>>)
      } else {
      }
      %jit3A_369 = arith.constant 50 : i32
      %div3A_370 = arith.divsi %add3A_307, %jit3A_369 : i32
      %sign3A_371 = arith.constant 0 : i32
      %sign3A_372 = arith.cmpi sgt, %add3A_307, %sign3A_371 : i32
      %sign3A_373 = arith.extui %sign3A_372 : i1 to i32
      %sign3A_374 = arith.constant 0 : i32
      %sign3A_375 = arith.cmpi slt, %add3A_307, %sign3A_374 : i32
      %sign3A_376 = arith.extui %sign3A_375 : i1 to i32
      %sign3A_377 = arith.subi %sign3A_373, %sign3A_376 : i32
      %sign3A_378 = arith.constant 0 : i32
      %sign3A_379 = arith.cmpi sgt, %jit3A_369, %sign3A_378 : i32
      %sign3A_380 = arith.extui %sign3A_379 : i1 to i32
      %sign3A_381 = arith.constant 0 : i32
      %sign3A_382 = arith.cmpi slt, %jit3A_369, %sign3A_381 : i32
      %sign3A_383 = arith.extui %sign3A_382 : i1 to i32
      %sign3A_384 = arith.subi %sign3A_380, %sign3A_383 : i32
      %ne3A_385 = arith.cmpi ne, %sign3A_377, %sign3A_384 : i32
      %rem3A_386 = arith.remsi %add3A_307, %jit3A_369 : i32
      %ne3A_387 = arith.constant 0 : i32
      %ne3A_388 = arith.cmpi ne, %rem3A_386, %ne3A_387 : i32
      %and3A_389 = arith.andi %ne3A_385, %ne3A_388 : i1
      %sub3A_390 = arith.constant 1 : i32
      %sub3A_391 = arith.subi %div3A_370, %sub3A_390 : i32
      %select_n3A_392 = arith.select %and3A_389, %sub3A_391, %div3A_370 : i32
      %mul3A_393 = arith.constant 50 : i32
      %mul3A_394 = arith.muli %select_n3A_392, %mul3A_393 : i32
      %sub3A_395 = arith.subi %add3A_307, %mul3A_394 : i32
      %mul3A_396 = arith.constant 4 : i32
      %mul3A_397 = arith.muli %add3A, %mul3A_396 : i32
      %add3A_398 = arith.addi %mul3A_397, %select_n3A_392 : i32
      %dma_start3A_399 = arith.constant 1 : i32
      %dma_start3A_400 = arith.constant 0 : i32
      %dma_start3A_401 = arith.constant 0 : i32
      %dma_start3A_402 = arith.constant 0 : i32
      %dma_start3A_403 = tpu.memref_slice %arg7[%dma_start3A_399, %dma_start3A_400, %dma_start3A_401, %dma_start3A_402] : memref<2x8x8x129xf32, #tpu.memory_space<vmem>> -> memref<1x8x8x129xf32, #tpu.memory_space<vmem>>
      %dma_start3A_404 = tpu.memref_squeeze %dma_start3A_403 : memref<1x8x8x129xf32, #tpu.memory_space<vmem>> -> memref<8x8x129xf32, #tpu.memory_space<vmem>>
      %dma_start3A_405 = arith.constant 0 : i32
      %dma_start3A_406 = arith.constant 0 : i32
      %dma_start3A_407 = arith.constant 0 : i32
      %dma_start3A_408 = tpu.memref_slice %dma_start3A_404[%dma_start3A_405, %dma_start3A_406, %dma_start3A_407] : memref<8x8x129xf32, #tpu.memory_space<vmem>> -> memref<8x8x128xf32, #tpu.memory_space<vmem>>
      %dma_start3A_409 = arith.constant 0 : i32
      %dma_start3A_410 = arith.constant 0 : i32
      %dma_start3A_411 = arith.constant 0 : i32
      %dma_start3A_412 = arith.constant 0 : i32
      %dma_start3A_413 = tpu.memref_slice %arg4[%sub3A_395, %dma_start3A_409, %dma_start3A_410, %dma_start3A_411, %dma_start3A_412] : memref<50x8x128x8x128xf32, #tpu.memory_space<hbm>> -> memref<1x8x128x8x128xf32, #tpu.memory_space<hbm>>
      %dma_start3A_414 = tpu.memref_squeeze %dma_start3A_413 : memref<1x8x128x8x128xf32, #tpu.memory_space<hbm>> -> memref<8x128x8x128xf32, #tpu.memory_space<hbm>>
      %dma_start3A_415 = arith.constant 0 : i32
      %dma_start3A_416 = arith.constant 0 : i32
      %dma_start3A_417 = arith.constant 0 : i32
      %dma_start3A_418 = tpu.memref_slice %dma_start3A_414[%dma_start3A_415, %add3A_398, %dma_start3A_416, %dma_start3A_417] : memref<8x128x8x128xf32, #tpu.memory_space<hbm>> -> memref<8x1x8x128xf32, #tpu.memory_space<hbm>>
      %dma_start3A_419 = tpu.memref_squeeze %dma_start3A_418 : memref<8x1x8x128xf32, #tpu.memory_space<hbm>> -> memref<8x8x128xf32, #tpu.memory_space<hbm>>
      %dma_start3A_420 = arith.constant 0 : i32
      %dma_start3A_421 = arith.constant 0 : i32
      %dma_start3A_422 = arith.constant 0 : i32
      %dma_start3A_423 = arith.constant 0 : i32
      %dma_start3A_424 = tpu.memref_slice %arg4[%sub3A_395, %dma_start3A_420, %dma_start3A_421, %dma_start3A_422, %dma_start3A_423] : memref<50x8x128x8x128xf32, #tpu.memory_space<hbm>> -> memref<1x8x128x8x128xf32, #tpu.memory_space<hbm>>
      %dma_start3A_425 = tpu.memref_squeeze %dma_start3A_424 : memref<1x8x128x8x128xf32, #tpu.memory_space<hbm>> -> memref<8x128x8x128xf32, #tpu.memory_space<hbm>>
      %dma_start3A_426 = arith.constant 0 : i32
      %dma_start3A_427 = arith.constant 0 : i32
      %dma_start3A_428 = arith.constant 0 : i32
      %dma_start3A_429 = tpu.memref_slice %dma_start3A_425[%dma_start3A_426, %add3A_398, %dma_start3A_427, %dma_start3A_428] : memref<8x128x8x128xf32, #tpu.memory_space<hbm>> -> memref<8x1x8x128xf32, #tpu.memory_space<hbm>>
      %dma_start3A_430 = tpu.memref_squeeze %dma_start3A_429 : memref<8x1x8x128xf32, #tpu.memory_space<hbm>> -> memref<8x8x128xf32, #tpu.memory_space<hbm>>
      %dma_start3A_431 = arith.constant 0 : i32
      %dma_start3A_432 = arith.constant 0 : i32
      %dma_start3A_433 = arith.constant 0 : i32
      %dma_start3A_434 = tpu.memref_slice %arg7[%dma_start3A_399, %dma_start3A_431, %dma_start3A_432, %dma_start3A_433] : memref<2x8x8x129xf32, #tpu.memory_space<vmem>> -> memref<1x8x8x129xf32, #tpu.memory_space<vmem>>
      %dma_start3A_435 = tpu.memref_squeeze %dma_start3A_434 : memref<1x8x8x129xf32, #tpu.memory_space<vmem>> -> memref<8x8x129xf32, #tpu.memory_space<vmem>>
      %dma_start3A_436 = arith.constant 0 : i32
      %dma_start3A_437 = arith.constant 0 : i32
      %dma_start3A_438 = arith.constant 0 : i32
      %dma_start3A_439 = tpu.memref_slice %dma_start3A_435[%dma_start3A_436, %dma_start3A_437, %dma_start3A_438] : memref<8x8x129xf32, #tpu.memory_space<vmem>> -> memref<8x8x128xf32, #tpu.memory_space<vmem>>
      tpu.enqueue_dma source(%dma_start3A_439 : memref<8x8x128xf32, #tpu.memory_space<vmem>>) target(%dma_start3A_430 : memref<8x8x128xf32, #tpu.memory_space<hbm>>) target_semaphore(%arg11 : memref<!tpu.dma_semaphore, #tpu.memory_space<semaphore_mem>>)
    }
    %scan3A_88 = arith.constant 100 : i32
    %mul3A_89 = arith.constant 4 : i32
    %mul3A_90 = arith.muli %add3A, %mul3A_89 : i32
    %add3A_91 = arith.constant 0 : i32
    %add3A_92 = arith.addi %mul3A_90, %add3A_91 : i32
    %dma_wait3A = arith.constant 0 : i32
    %dma_wait3A_93 = arith.constant 0 : i32
    %dma_wait3A_94 = arith.constant 0 : i32
    %dma_wait3A_95 = arith.constant 0 : i32
    %dma_wait3A_96 = arith.constant 0 : i32
    %dma_wait3A_97 = tpu.memref_slice %arg7[%dma_wait3A, %dma_wait3A_94, %dma_wait3A_95, %dma_wait3A_96] : memref<2x8x8x129xf32, #tpu.memory_space<vmem>> -> memref<1x8x8x129xf32, #tpu.memory_space<vmem>>
    %dma_wait3A_98 = tpu.memref_squeeze %dma_wait3A_97 : memref<1x8x8x129xf32, #tpu.memory_space<vmem>> -> memref<8x8x129xf32, #tpu.memory_space<vmem>>
    %dma_wait3A_99 = arith.constant 0 : i32
    %dma_wait3A_100 = arith.constant 0 : i32
    %dma_wait3A_101 = arith.constant 0 : i32
    %dma_wait3A_102 = tpu.memref_slice %dma_wait3A_98[%dma_wait3A_99, %dma_wait3A_100, %dma_wait3A_101] : memref<8x8x129xf32, #tpu.memory_space<vmem>> -> memref<8x8x128xf32, #tpu.memory_space<vmem>>
    %dma_wait3A_103 = arith.constant 0 : i32
    %dma_wait3A_104 = arith.constant 0 : i32
    %dma_wait3A_105 = arith.constant 0 : i32
    %dma_wait3A_106 = arith.constant 0 : i32
    %dma_wait3A_107 = tpu.memref_slice %arg4[%dma_wait3A_93, %dma_wait3A_103, %dma_wait3A_104, %dma_wait3A_105, %dma_wait3A_106] : memref<50x8x128x8x128xf32, #tpu.memory_space<hbm>> -> memref<1x8x128x8x128xf32, #tpu.memory_space<hbm>>
    %dma_wait3A_108 = tpu.memref_squeeze %dma_wait3A_107 : memref<1x8x128x8x128xf32, #tpu.memory_space<hbm>> -> memref<8x128x8x128xf32, #tpu.memory_space<hbm>>
    %dma_wait3A_109 = arith.constant 0 : i32
    %dma_wait3A_110 = arith.constant 0 : i32
    %dma_wait3A_111 = arith.constant 0 : i32
    %dma_wait3A_112 = tpu.memref_slice %dma_wait3A_108[%dma_wait3A_109, %add3A_92, %dma_wait3A_110, %dma_wait3A_111] : memref<8x128x8x128xf32, #tpu.memory_space<hbm>> -> memref<8x1x8x128xf32, #tpu.memory_space<hbm>>
    %dma_wait3A_113 = tpu.memref_squeeze %dma_wait3A_112 : memref<8x1x8x128xf32, #tpu.memory_space<hbm>> -> memref<8x8x128xf32, #tpu.memory_space<hbm>>
    %dma_wait3A_114 = arith.constant 0 : i32
    %dma_wait3A_115 = arith.constant 0 : i32
    %dma_wait3A_116 = arith.constant 0 : i32
    %dma_wait3A_117 = arith.constant 0 : i32
    %dma_wait3A_118 = tpu.memref_slice %arg4[%dma_wait3A_93, %dma_wait3A_114, %dma_wait3A_115, %dma_wait3A_116, %dma_wait3A_117] : memref<50x8x128x8x128xf32, #tpu.memory_space<hbm>> -> memref<1x8x128x8x128xf32, #tpu.memory_space<hbm>>
    %dma_wait3A_119 = tpu.memref_squeeze %dma_wait3A_118 : memref<1x8x128x8x128xf32, #tpu.memory_space<hbm>> -> memref<8x128x8x128xf32, #tpu.memory_space<hbm>>
    %dma_wait3A_120 = arith.constant 0 : i32
    %dma_wait3A_121 = arith.constant 0 : i32
    %dma_wait3A_122 = arith.constant 0 : i32
    %dma_wait3A_123 = tpu.memref_slice %dma_wait3A_119[%dma_wait3A_120, %add3A_92, %dma_wait3A_121, %dma_wait3A_122] : memref<8x128x8x128xf32, #tpu.memory_space<hbm>> -> memref<8x1x8x128xf32, #tpu.memory_space<hbm>>
    %dma_wait3A_124 = tpu.memref_squeeze %dma_wait3A_123 : memref<8x1x8x128xf32, #tpu.memory_space<hbm>> -> memref<8x8x128xf32, #tpu.memory_space<hbm>>
    %dma_wait3A_125 = arith.constant 0 : i32
    %dma_wait3A_126 = arith.constant 0 : i32
    %dma_wait3A_127 = arith.constant 0 : i32
    %dma_wait3A_128 = tpu.memref_slice %arg7[%dma_wait3A, %dma_wait3A_125, %dma_wait3A_126, %dma_wait3A_127] : memref<2x8x8x129xf32, #tpu.memory_space<vmem>> -> memref<1x8x8x129xf32, #tpu.memory_space<vmem>>
    %dma_wait3A_129 = tpu.memref_squeeze %dma_wait3A_128 : memref<1x8x8x129xf32, #tpu.memory_space<vmem>> -> memref<8x8x129xf32, #tpu.memory_space<vmem>>
    %dma_wait3A_130 = arith.constant 0 : i32
    %dma_wait3A_131 = arith.constant 0 : i32
    %dma_wait3A_132 = arith.constant 0 : i32
    %dma_wait3A_133 = tpu.memref_slice %dma_wait3A_129[%dma_wait3A_130, %dma_wait3A_131, %dma_wait3A_132] : memref<8x8x129xf32, #tpu.memory_space<vmem>> -> memref<8x8x128xf32, #tpu.memory_space<vmem>>
    tpu.wait_dma2 semaphore(%arg10 : memref<!tpu.dma_semaphore, #tpu.memory_space<semaphore_mem>>) src(%dma_wait3A_133 : memref<8x8x128xf32, #tpu.memory_space<vmem>>) dst(%dma_wait3A_124 : memref<8x8x128xf32, #tpu.memory_space<hbm>>)
    %mul3A_134 = arith.constant 4 : i32
    %mul3A_135 = arith.muli %add3A, %mul3A_134 : i32
    %add3A_136 = arith.constant 0 : i32
    %add3A_137 = arith.addi %mul3A_135, %add3A_136 : i32
    %dma_wait3A_138 = arith.constant 1 : i32
    %dma_wait3A_139 = arith.constant 0 : i32
    %dma_wait3A_140 = arith.constant 0 : i32
    %dma_wait3A_141 = arith.constant 0 : i32
    %dma_wait3A_142 = arith.constant 0 : i32
    %dma_wait3A_143 = tpu.memref_slice %arg7[%dma_wait3A_138, %dma_wait3A_140, %dma_wait3A_141, %dma_wait3A_142] : memref<2x8x8x129xf32, #tpu.memory_space<vmem>> -> memref<1x8x8x129xf32, #tpu.memory_space<vmem>>
    %dma_wait3A_144 = tpu.memref_squeeze %dma_wait3A_143 : memref<1x8x8x129xf32, #tpu.memory_space<vmem>> -> memref<8x8x129xf32, #tpu.memory_space<vmem>>
    %dma_wait3A_145 = arith.constant 0 : i32
    %dma_wait3A_146 = arith.constant 0 : i32
    %dma_wait3A_147 = arith.constant 0 : i32
    %dma_wait3A_148 = tpu.memref_slice %dma_wait3A_144[%dma_wait3A_145, %dma_wait3A_146, %dma_wait3A_147] : memref<8x8x129xf32, #tpu.memory_space<vmem>> -> memref<8x8x128xf32, #tpu.memory_space<vmem>>
    %dma_wait3A_149 = arith.constant 0 : i32
    %dma_wait3A_150 = arith.constant 0 : i32
    %dma_wait3A_151 = arith.constant 0 : i32
    %dma_wait3A_152 = arith.constant 0 : i32
    %dma_wait3A_153 = tpu.memref_slice %arg4[%dma_wait3A_139, %dma_wait3A_149, %dma_wait3A_150, %dma_wait3A_151, %dma_wait3A_152] : memref<50x8x128x8x128xf32, #tpu.memory_space<hbm>> -> memref<1x8x128x8x128xf32, #tpu.memory_space<hbm>>
    %dma_wait3A_154 = tpu.memref_squeeze %dma_wait3A_153 : memref<1x8x128x8x128xf32, #tpu.memory_space<hbm>> -> memref<8x128x8x128xf32, #tpu.memory_space<hbm>>
    %dma_wait3A_155 = arith.constant 0 : i32
    %dma_wait3A_156 = arith.constant 0 : i32
    %dma_wait3A_157 = arith.constant 0 : i32
    %dma_wait3A_158 = tpu.memref_slice %dma_wait3A_154[%dma_wait3A_155, %add3A_137, %dma_wait3A_156, %dma_wait3A_157] : memref<8x128x8x128xf32, #tpu.memory_space<hbm>> -> memref<8x1x8x128xf32, #tpu.memory_space<hbm>>
    %dma_wait3A_159 = tpu.memref_squeeze %dma_wait3A_158 : memref<8x1x8x128xf32, #tpu.memory_space<hbm>> -> memref<8x8x128xf32, #tpu.memory_space<hbm>>
    %dma_wait3A_160 = arith.constant 0 : i32
    %dma_wait3A_161 = arith.constant 0 : i32
    %dma_wait3A_162 = arith.constant 0 : i32
    %dma_wait3A_163 = arith.constant 0 : i32
    %dma_wait3A_164 = tpu.memref_slice %arg4[%dma_wait3A_139, %dma_wait3A_160, %dma_wait3A_161, %dma_wait3A_162, %dma_wait3A_163] : memref<50x8x128x8x128xf32, #tpu.memory_space<hbm>> -> memref<1x8x128x8x128xf32, #tpu.memory_space<hbm>>
    %dma_wait3A_165 = tpu.memref_squeeze %dma_wait3A_164 : memref<1x8x128x8x128xf32, #tpu.memory_space<hbm>> -> memref<8x128x8x128xf32, #tpu.memory_space<hbm>>
    %dma_wait3A_166 = arith.constant 0 : i32
    %dma_wait3A_167 = arith.constant 0 : i32
    %dma_wait3A_168 = arith.constant 0 : i32
    %dma_wait3A_169 = tpu.memref_slice %dma_wait3A_165[%dma_wait3A_166, %add3A_137, %dma_wait3A_167, %dma_wait3A_168] : memref<8x128x8x128xf32, #tpu.memory_space<hbm>> -> memref<8x1x8x128xf32, #tpu.memory_space<hbm>>
    %dma_wait3A_170 = tpu.memref_squeeze %dma_wait3A_169 : memref<8x1x8x128xf32, #tpu.memory_space<hbm>> -> memref<8x8x128xf32, #tpu.memory_space<hbm>>
    %dma_wait3A_171 = arith.constant 0 : i32
    %dma_wait3A_172 = arith.constant 0 : i32
    %dma_wait3A_173 = arith.constant 0 : i32
    %dma_wait3A_174 = tpu.memref_slice %arg7[%dma_wait3A_138, %dma_wait3A_171, %dma_wait3A_172, %dma_wait3A_173] : memref<2x8x8x129xf32, #tpu.memory_space<vmem>> -> memref<1x8x8x129xf32, #tpu.memory_space<vmem>>
    %dma_wait3A_175 = tpu.memref_squeeze %dma_wait3A_174 : memref<1x8x8x129xf32, #tpu.memory_space<vmem>> -> memref<8x8x129xf32, #tpu.memory_space<vmem>>
    %dma_wait3A_176 = arith.constant 0 : i32
    %dma_wait3A_177 = arith.constant 0 : i32
    %dma_wait3A_178 = arith.constant 0 : i32
    %dma_wait3A_179 = tpu.memref_slice %dma_wait3A_175[%dma_wait3A_176, %dma_wait3A_177, %dma_wait3A_178] : memref<8x8x129xf32, #tpu.memory_space<vmem>> -> memref<8x8x128xf32, #tpu.memory_space<vmem>>
    tpu.wait_dma2 semaphore(%arg11 : memref<!tpu.dma_semaphore, #tpu.memory_space<semaphore_mem>>) src(%dma_wait3A_179 : memref<8x8x128xf32, #tpu.memory_space<vmem>>) dst(%dma_wait3A_170 : memref<8x8x128xf32, #tpu.memory_space<hbm>>)
    return
  }
}

</mosaic_0001>

<sc_bundles>
// kernel: _sc_gather.3.cloned.1.call-start
scs
__scs_entry_jumppad:
0x0: {  	(pc) =	sbr.rel $0x88, $3  }
0x1: {  	(tag) =	ssettag $0x0;
	lr =	simm.s32 $0x1  }
0x2: {  	[smem:$0x3F9F] =	sst lr;
	_ =	strace $0xD0000000  }
0x3: {  	_ = 	snop  }
0x4: {  	_ = 	snop  }
0x5: {  	_ = 	snop  }
0x6: {  	_ = 	snop  }
0x7: {  	_ = 	snop  }
__scs_overlays_trampoline_lowered:
0x8: {  	[smem:$0x3FAE] =	sst s0  }
0x9: {  	[smem:$0x3FAF] =	sst s1  }
0xa: {  	[smem:$0x3FB0] =	sst s2  }
0xb: {  	[smem:$0x3FB1] =	sst s3  }
0xc: {  	[smem:$0x3FB2] =	sst s4  }
0xd: {  	[smem:$0x3FB3] =	sst s5  }
0xe: {  	[smem:$0x3FB4] =	sst s6  }
0xf: {  	[smem:$0x3FB5] =	sst s7  }
0x10: {  	[smem:$0x3FB6] =	sst s8  }
0x11: {  	[smem:$0x3FB7] =	sst s9;
	s0 =	simm.s32 @!p0 $0x0  }
0x12: {  	s1 =	sld [smem:$0x3F9D];
	s0 =	simm.s32 @p0 $0x1  }
0x13: {  	[smem:$0x3FB8] =	sst s0;
	s0 =	simm.s32 @!p1 $0x0  }
0x14: {  	s2 =	sld [smem:$0x3F9C];
	s0 =	simm.s32 @p1 $0x1  }
0x15: {  	[smem:$0x3FB9] =	sst s0;
	s0 =	simm.s32 @!p2 $0x0  }
0x16: {  	s3 =	sld [smem:$0x3FDB];
	s0 =	simm.s32 @p2 $0x1  }
0x17: {  	s4 =	simm.s32 $0x1BF5;
	[smem:$0x3FBB] =	sst s0  }
0x18: {  	s0 =	sld [smem:$0x3F9E];
	_ =	swait.ge [sflag:s4], $0x0  }
0x19: {  	s7 =	sld [smem:$0x3F9F]  }
0x1a: {  	s8 =	sadd.s32 $0xFFFFE003, lr  }
0x1b: {  	s9 =	sadd.s32 $0xFFFFFEF7, lr;
	s5 =	simm.s32 $0xFFFFFFFF;
	p2 =	slt.u32 s8, $0xFFFFF086  }
0x1c: {  	p1 =	slt.u32 s9, $0xF7A;
	s5 =	simm.s32 @!p2 $0x0  }
0x1d: {  	s5 =	simm.s32 @p1 $0x1;
	p0 =	seq.s32 s7, s2  }
0x1e: {  	s7 =	smul.u32 @!p0 $0xF7A, s2;
	p2 =	seq.s32 @!p0 s5, $0x0  }
0x1f: {  	s9 =	smul.u32 $0xF7A, s1;
	s8 =	simm.s32 @!p0 $0x1BF5;
	p2 =	por !p2, p0  }
0x20: {  	[sflag:s8] =	ssyncset.s32 @!p0 $0xFFFFF086;
	s6 =	sadd.s32 @!p0 s3, s7;
	s7 =	simm.s32 @!p0 $0x108  }
0x21: {  	s3 =	sadd.s32 s3, s9;
	s6 =	sadd.s32 @!p0 $0x88, s6;
	s7 =	simm.s32 @p2 $0x1082  }
0x22: {  	[simem:s7], [sflag:s8] =	dma.local @!p0 [hbm:s6], $0xF7A  }
0x23: {  	s9 =	sor.u32 $0xD0000000, s2;
	s6 =	simm.s32 $0x108;
	_ =	swait.ge @!p0 [sflag:s8], $0x0  }
0x24: {  	s3 =	sadd.s32 $0x88, s3;
	s6 =	simm.s32 @!p1 $0x1082;
	[sflag:s4] =	ssyncset.s32 $0xFFFFF086  }
0x25: {  	[simem:s6], [sflag:s4] =	dma.local [hbm:s3], $0xF7A  }
0x26: {  	[smem:$0x3F9F] =	sst s1;
	(tag) =	ssettag s2;
	_ =	strace s9  }
0x27: {  	s1 =	sld [smem:$0x3FAF]  }
0x28: {  	s2 =	sld [smem:$0x3FB0]  }
0x29: {  	s4 =	sld [smem:$0x3FB2]  }
0x2a: {  	p0 =	seq.s32 s5, $0x0;
	s5 =	sld [smem:$0x3FB3]  }
0x2b: {  	s6 =	sld [smem:$0x3FB4]  }
0x2c: {  	s7 =	sld [smem:$0x3FB5]  }
0x2d: {  	s3 =	simm.s32 $0x108;
	s8 =	sld [smem:$0x3FB6]  }
0x2e: {  	s3 =	simm.s32 @!p0 $0x1082;
	s9 =	sld [smem:$0x3FB7]  }
0x2f: {  	lr =	sadd.s32 s0, s3;
	s0 =	sld [smem:$0x3FAE]  }
0x30: {  	s3 =	sld [smem:$0x3FB1]  }
0x31: {  	[smem:$0x3FBA] =	sst s10  }
0x32: {  	s10 =	sld [smem:$0x3FB8];
	_ =	sdelay $0x3  }
0x33: {  	p0 =	seq.s32 s10, $0x1;
	s10 =	sld [smem:$0x3FBA];
	_ =	sdelay $0x3  }
0x34: {  	[smem:$0x3FBA] =	sst s10  }
0x35: {  	s10 =	sld [smem:$0x3FB9];
	_ =	sdelay $0x3  }
0x36: {  	p1 =	seq.s32 s10, $0x1;
	s10 =	sld [smem:$0x3FBA];
	_ =	sdelay $0x3  }
0x37: {  	[smem:$0x3FBA] =	sst s10  }
0x38: {  	s10 =	sld [smem:$0x3FBB]  }
0x39: {  	_ = 	snop;
	(pc) =	sbr.ind lr, $3  }
0x3a: {  	_ = 	snop  }
0x3b: {  	_ = 	snop  }
0x3c: {  	p2 =	seq.s32 s10, $0x1;
	s10 =	sld [smem:$0x3FBA]  }
0x3d: {  	_ =	shalt  }
0x3e: {  	_ =	shalt  }
0x3f: {  	_ =	shalt  }
0x40: {  	_ =	shalt  }
0x41: {  	_ =	shalt  }
0x42: {  	_ =	shalt  }
0x43: {  	_ =	shalt  }
0x44: {  	_ =	shalt  }
0x45: {  	_ =	shalt  }
0x46: {  	_ =	shalt  }
0x47: {  	_ =	shalt  }
0x48: {  	_ =	shalt  }
0x49: {  	_ =	shalt  }
0x4a: {  	_ =	shalt  }
0x4b: {  	_ =	shalt  }
0x4c: {  	_ =	shalt  }
0x4d: {  	_ =	shalt  }
0x4e: {  	_ =	shalt  }
0x4f: {  	_ =	shalt  }
0x50: {  	_ =	shalt  }
0x51: {  	_ =	shalt  }
0x52: {  	_ =	shalt  }
0x53: {  	_ =	shalt  }
0x54: {  	_ =	shalt  }
0x55: {  	_ =	shalt  }
0x56: {  	_ =	shalt  }
0x57: {  	_ =	shalt  }
0x58: {  	_ =	shalt  }
0x59: {  	_ =	shalt  }
0x5a: {  	_ =	shalt  }
0x5b: {  	_ =	shalt  }
0x5c: {  	_ =	shalt  }
0x5d: {  	_ =	shalt  }
0x5e: {  	_ =	shalt  }
0x5f: {  	_ =	shalt  }
0x60: {  	_ =	shalt  }
0x61: {  	_ =	shalt  }
0x62: {  	_ =	shalt  }
0x63: {  	_ =	shalt  }
0x64: {  	_ =	shalt  }
0x65: {  	_ =	shalt  }
0x66: {  	_ =	shalt  }
0x67: {  	_ =	shalt  }
0x68: {  	_ =	shalt  }
0x69: {  	_ =	shalt  }
0x6a: {  	_ =	shalt  }
0x6b: {  	_ =	shalt  }
0x6c: {  	_ =	shalt  }
0x6d: {  	_ =	shalt  }
0x6e: {  	_ =	shalt  }
0x6f: {  	_ =	shalt  }
0x70: {  	_ =	shalt  }
0x71: {  	_ =	shalt  }
0x72: {  	_ =	shalt  }
0x73: {  	_ =	shalt  }
0x74: {  	_ =	shalt  }
0x75: {  	_ =	shalt  }
0x76: {  	_ =	shalt  }
0x77: {  	_ =	shalt  }
0x78: {  	_ =	shalt  }
0x79: {  	_ =	shalt  }
0x7a: {  	_ =	shalt  }
0x7b: {  	_ =	shalt  }
0x7c: {  	_ =	shalt  }
0x7d: {  	_ =	shalt  }
0x7e: {  	_ =	shalt  }
0x7f: {  	_ =	shalt  }
0x80: {  	_ =	shalt  }
0x81: {  	_ =	shalt  }
0x82: {  	_ =	shalt  }
0x83: {  	_ =	shalt  }
0x84: {  	_ =	shalt  }
0x85: {  	_ =	shalt  }
0x86: {  	_ =	shalt  }
0x87: {  	_ =	shalt  }
.Lfunc_end0:
.L_simem_size_0:
called_computation_lowered:
.L_overlay_start_0:
0x88: {  	s2 =	sld [smem:$0x3FD9]  }
0x89: {  	s3 =	sld [smem:$0x3FFE];
	_ =	sdelay $0x1  }
0x8a: {  	s1 =	srdreg.scid  }
0x8b: {  	s0 =	sand.u32 $0x1, s1  }
0x8c: {  	s17 =	sshll.u32 s0, $0xA;
	s2 =	sadd.s32 s3, s2  }
0x8d: {  	s2 =	sadd.s32 s2, s17  }
0x8e: {  	[smem:$0x3FC6] =	sst s2  }
0x8f: {  	_ = 	snop  }
0x90: {  	s2 =	sld [smem:$0x3FC8]  }
0x91: {  	s18 =	sld [smem:$0x3FD0];
	(tm) =	ssettm $0x1  }
0x92: {  	s4 =	sld [smem:$0x3FFB];
	_ =	sdelay $0x3  }
0x93: {  	_ =	strace s4  }
0x94: {  	s4 =	sld [smem:$0x3FFC];
	_ =	sdelay $0x3  }
0x95: {  	_ =	strace s4  }
0x96: {  	s4 =	sld [smem:$0x3FFD];
	_ =	sdelay $0x3  }
0x97: {  	_ =	strace s4  }
0x98: {  	_ =	strace $0x8FFFFFFF  }
0x99: {  	s19 =	sld [smem:$0x3FDB];
	_ =	sdelay $0x1  }
0x9a: {  	s5 =	simm.s32 $_scs_section_size  }
0x9b: {  	s6 =	simm.s32 $_size__tile_overlayer_lowered;
	s7 =	simm.s32 $_tile_overlayer_lowered  }
0x9c: {  	s22 =	simm.s32 $0x1BFF;
	s21 =	sshll.u32 s7, $0x1;
	s4 =	sadd.s32 s5, s19  }
0x9d: {  	s8 =	simm.s32 $0x0;
	s20 =	sshll.u32 s6, $0x1;
	s6 =	sadd.s32 s21, s4  }
0x9e: {  	[timem:s8], [sflag:s22] =	dma.local [hbm:s6], s20  }
0x9f: {  	_ =	swait.ge [sflag:s22], s20  }
0xa0: {  	s5 =	ssub.s32 $0x0, s20;
	[sflag:s22] =	ssyncset.done $0x0  }
0xa1: {  	[sflag:s22] =	ssyncadd.s32 s5;
	_ =	sdelay $0x1  }
0xa2: {  	s23 =	simm.s32 $0x1B8B  }
0xa3: {  	_ =	swait.ge [sflag:s23], $0x1  }
0xa4: {  	[sflag:s23] =	ssyncset.done $0x0  }
0xa5: {  	s25 =	simm.s32 $0x1B8E;
	s24 =	sld [smem:$0x3FFE];
	[sflag:s23] =	ssyncadd.s32 $0xFFFFFFFF  }
0xa6: {  	s26 =	simm.s32 $execute0_lowered;
	[smem:$0x3FD2] =	sst s25  }
0xa7: {  	s6 =	sshll.u32 s26, $0x1;
	_ =	strace $0x80000046;
	[dreg:$0x1] =	wrdreg $0xFFFFFFFF  }
0xa8: {  	s28 =	simm.s32 $_size_execute0_lowered;
	s4 =	sadd.s32 s4, s6;
	[dreg:$0x0] =	wrdreg $0x0  }
0xa9: {  	s6 =	sshll.u32 s28, $0x1;
	[dreg:$0x2] =	wrdreg s4  }
0xaa: {  	[dreg:$0x3] =	wrdreg s6  }
0xab: {  	[dreg:$0x4] =	wrdreg $0xC0  }
0xac: {  	_ =	task [dreg:s8], $0x5FFFF  }
0xad: {  	[dreg:$0x1] =	wrdreg $0xFFFFFFFF  }
0xae: {  	[dreg:$0x0] =	wrdreg $0x60  }
0xaf: {  	[dreg:$0x2] =	wrdreg s24  }
0xb0: {  	[dreg:$0x3] =	wrdreg s2  }
0xb1: {  	[dreg:$0x4] =	wrdreg s18  }
0xb2: {  	[dreg:$0x5] =	wrdreg $0x9  }
0xb3: {  	_ =	task.clear_ibuf [dreg:s8], $0x6FFFF;
	_ =	strace $0x90000046  }
0xb4: {  	s29 =	simm.s32 $0x9;
	_ =	strace $0x80000048  }
0xb5: {  	_ =	swait.ge [sflag:s29], $0x1  }
0xb6: {  	[sflag:s29] =	ssyncadd.s32 $0xFFFFFFFF  }
0xb7: {  	_ =	strace $0x90000048  }
0xb8: {  	_ =	sfence  }
0xb9: {  	s30 =	sld [smem:$0x0];
	_ =	sdelay $0x2  }
0xba: {  	s31 =	sshll.u32 s1, $0xD;
	s1 =	sshrl.u32 s1, $0x2  }
0xbb: {  	s3 =	sand.u32 $0x4000, s31;
	s1 =	sadd.s32 s1, s30  }
0xbc: {  	s0 =	sor.u32 s3, s0;
	s1 =	sshll.u32 s1, $0x11  }
0xbd: {  	s0 =	sor.u32 s1, s0  }
0xbe: {  	s0 =	sadd.s32 $0x8F2B, s0  }
0xbf: {  	[sflag:s0] =	ssyncadd.remote.s32 $0x1  }
0xc0: {  	_ =	sfence.sel $0xFFFF  }
0xc1: {  	[dreg:$0x0] =	wrdreg $0xFFFFFFFF;
	(pc) =	sbr.abs _section_cstart, $3  }
0xc2: {  	[dreg:$0x1] =	wrdreg $0xFFFFFFFF  }
0xc3: {  	_ =	task.clear_ibuf [dreg:s8], $0x2FFFF;
	_ =	strace $0x9FFFFFFF  }
0xc4: {  	(tm) =	ssettm $0x7FFFFFFF  }
0xc5: {  	_ =	shalt  }
tec
execute0_lowered:
.L_overlay_start_1:
0x0: {  	(tag) =	ssettag $0x1  }
0x1: {  	s5 =	rddreg [dreg:$0x0]  }
0x2: {  	s2 =	rddreg [dreg:$0x1];
	s1 =	srdreg.scid  }
0x3: {  	s0 =	stileid.u32;
	s3 =	rddreg [dreg:$0x2];
	s9 =	simm.s32 $0x4000  }
0x4: {  	s10 =	simm.s32 $0x5;
	s11 =	simm.s32 $0x80;
	s12 =	simm.s32 $0x6400  }
0x5: {  	s13 =	simm.s32 $0xA400;
	s14 =	simm.s32 $0x1;
	s15 =	simm.s32 $0xE400  }
0x6: {  	s16 =	simm.s32 $0x2;
	s17 =	simm.s32 $0x10600;
	s18 =	simm.s32 $0x3  }
0x7: {  	s19 =	simm.s32 $0x4;
	s6 =	sand.u32 $0x1, s1;
	s4 =	sshll.u32 s0, $0x1  }
0x8: {  	s20 =	simm.s32 $0x0;
	s1 =	rddreg [dreg:$0x3];
	s7 =	sor.u32 s6, s4  }
0x9: {  	v0 =	vlaneseq.u32;
	s4 =	simm.s32 $0x0;
	s6 =	ssub.s32 $0x2, s6;
	s8 =	sshll.u32 s7, $0x6  }
0xa: {  	v0 =	vmul.u32 $0x88, v0;
	[smem:$0x7FF] =	sst s4;
	s31 =	sshrl.u32 s6, $0x1;
	s5 =	sadd.s32 s8, s5  }
0xb: {  	_ =	strace $0x80000047;
	s8 =	ssub.s32 s6, s31;
	s6 =	sshll.u32 s7, $0x9  }
0xc: {  	v1 =	vadd.s32 $0x880, v0;
	v2 =	vadd.s32 $0x1100, v0;
	v3 =	vadd.s32 $0x1980, v0;
	s5 =	sadd.s32 $0x400, s5;
	s7 =	smax.u32 s8, $0x1;
	s8 =	simm.s32 $0x200  }
.LBB2_1:
0xd: {  	[tilespmem:s4], [sflag:$0x5] =	stream.strided.gather [hbm4b:s5+s8], $0x6400, s9, s8, $0x38;
	[tilespmem:$0x12800] =	vst v63  }
0xe: {  	_ =	swait.ge [sflag:s10], $0x6400  }
0xf: {  	[sflag:s10] =	ssyncset.done $0x0  }
0x10: {  	[sflag:s10] =	ssyncadd.s32 $0xFFFF9C00  }
0x11: {  	[tilespmem:s12], [sflag:$0x1] =	stream.indirect.gather [hbm4b:s2+s11], $0x80, s4, s11, $0xb8;
	[tilespmem:$0x12800] =	vst v63  }
0x12: {  	s21 =	simm.s32 $0x0  }
0x13: {  	[tilespmem:s13], [sflag:$0x2] =	stream.indirect.gather [hbm4b:s2+s11], $0x80, s8, s11, $0xb8;
	[tilespmem:$0x12800] =	vst v63  }
.LBB2_2:
0x14: {  	_ =	swait.ge [sflag:s14], $0x4000  }
0x15: {  	p1 =	seq.s32 s21, $0x0;
	[sflag:s14] =	ssyncset.done $0x0  }
0x16: {  	s22 =	simm.s32 @!p1 $0x3;
	[sflag:s14] =	ssyncadd.s32 $0xFFFFC000  }
0x17: {  	s23 =	simm.s32 $0x0;
	_ =	swait.ge @!p1 [sflag:s22], $0x2000  }
0x18: {  	v4 =	vmov s23;
	[sflag:s22] =	ssyncset.done @!p1 $0x0  }
0x19: {  	s23 =	simm.s32 $0x6420;
	v5 =	vand.u32 $0x7F, v4;
	[sflag:s22] =	ssyncadd.s32 @!p1 $0xFFFFE000  }
0x1a: {  	v6 =	vadd.s32 v0, v5;
	v4 =	vld [tilespmem:s23+$0xFFFFFFE0];
	_ =	sdelay $0x4  }
0x1b: {  	[tilespmem:v6+s15+$0x0] =	vst.idx.msk $0xffff, v4  }
0x1c: {  	v6 =	vadd.s32 v1, v5;
	v4 =	vld [tilespmem:s23+$0xFFFFFFF0];
	_ =	sdelay $0x4  }
0x1d: {  	[tilespmem:v6+s15+$0x0] =	vst.idx.msk $0xffff, v4  }
0x1e: {  	v6 =	vadd.s32 v2, v5;
	v4 =	vld [tilespmem:s23+$0x0];
	_ =	sdelay $0x4  }
0x1f: {  	[tilespmem:v6+s15+$0x0] =	vst.idx.msk $0xffff, v4  }
0x20: {  	v5 =	vadd.s32 v3, v5;
	v4 =	vld [tilespmem:s23+$0x10];
	_ =	sdelay $0x2  }
0x21: {  	s24 =	simm.s32 $0x1  }
0x22: {  	s22 =	sshll.u32 s21, $0x1;
	v6 =	vmov s24;
	s24 =	simm.s32 $0x2  }
.LBB2_3:
0x23: {  	p0 =	sne.s32 s24, $0x7F;
	v6 =	vand.u32 $0x7F, v6;
	[tilespmem:v5+s15+$0x0] =	vst.idx.msk $0xffff, v4;
	s23 =	sadd.s32 $0x80, s23  }
0x24: {  	v4 =	vld [tilespmem:s23+$0xFFFFFFE0];
	v5 =	vadd.s32 v0, v6;
	_ =	sdelay $0x4  }
0x25: {  	[tilespmem:v5+s15+$0x0] =	vst.idx.msk $0xffff, v4  }
0x26: {  	v5 =	vadd.s32 v1, v6;
	v4 =	vld [tilespmem:s23+$0xFFFFFFF0];
	_ =	sdelay $0x4  }
0x27: {  	[tilespmem:v5+s15+$0x0] =	vst.idx.msk $0xffff, v4  }
0x28: {  	v5 =	vadd.s32 v2, v6;
	v4 =	vld [tilespmem:s23+$0x0];
	_ =	sdelay $0x4  }
0x29: {  	[tilespmem:v5+s15+$0x0] =	vst.idx.msk $0xffff, v4  }
.Ltmp0:
0x2a: {  	v5 =	vadd.s32 v3, v6;
	v4 =	vld [tilespmem:s23+$0x10];
	(pc) =	sbr.rel @p0 .LBB2_3-.Ltmp0, $2  }
0x2b: {  	_ =	sdelay $0x2  }
0x2c: {  	v6 =	vmov s24;
	s24 =	sadd.s32 $0x1, s24  }
0x2d: {  	_ =	sdelay $0x3  }
0x2e: {  	v6 =	vand.u32 $0x7F, v6;
	[tilespmem:v5+s15+$0x0] =	vst.idx.msk $0xffff, v4;
	s23 =	sadd.s32 $0x80, s23  }
0x2f: {  	v4 =	vld [tilespmem:s23+$0xFFFFFFE0];
	v5 =	vadd.s32 v0, v6;
	_ =	sdelay $0x4  }
0x30: {  	[tilespmem:v5+s15+$0x0] =	vst.idx.msk $0xffff, v4  }
0x31: {  	v5 =	vadd.s32 v1, v6;
	v4 =	vld [tilespmem:s23+$0xFFFFFFF0];
	_ =	sdelay $0x4  }
0x32: {  	[tilespmem:v5+s15+$0x0] =	vst.idx.msk $0xffff, v4  }
0x33: {  	v5 =	vadd.s32 v2, v6;
	v4 =	vld [tilespmem:s23+$0x0]  }
0x34: {  	p0 =	seq.s32 s21, $0x63  }
0x35: {  	s24 =	sadd.s32 @!p0 $0x2, s22  }
0x36: {  	s25 =	smulhi.u32 @!p0 $0x51EB851F, s24;
	_ =	sdelay $0x1  }
0x37: {  	s26 =	sshrl.u32 @!p0 s25, $0x4;
	[tilespmem:v5+s15+$0x0] =	vst.idx.msk $0xffff, v4  }
0x38: {  	s26 =	smul.u32 @!p0 $0x1FFFCE, s26;
	v5 =	vadd.s32 v3, v6;
	v4 =	vld [tilespmem:s23+$0x10];
	_ =	sdelay $0x1  }
0x39: {  	s31 =	smulhi.u32 $0x51EB851F, s21;
	s23 =	sadd.s32 @!p0 s24, s26  }
0x3a: {  	s28 =	simm.s32 @!p0 $0x6400;
	s24 =	sshll.u32 @!p0 s25, $0x3;
	s23 =	sshll.u32 @!p0 s23, $0xB  }
0x3b: {  	s25 =	sshrl.u32 s31, $0x3;
	s24 =	sand.u32 @!p0 $0x3FFFFF80, s24;
	s23 =	sshra.s32 @!p0 s23, $0x2  }
0x3c: {  	s26 =	simm.s32 @!p0 $0x80;
	s24 =	sadd.s32 @!p0 s24, s23;
	s23 =	smul.u32 $0xFCE, s25;
	[tilespmem:v5+s15+$0x0] =	vst.idx.msk $0xffff, v4  }
0x3d: {  	[tilespmem:s28], [sflag:$0x1] =	stream.indirect.gather @!p0 [hbm4b:s2+s26], $0x80, s24, s26, $0xb8;
	[tilespmem:$0x12800] =	vst v63  }
0x3e: {  	s26 =	sadd.s32 s22, s23  }
0x3f: {  	s24 =	sshll.u32 s26, $0x11  }
0x40: {  	s25 =	sshll.u32 s25, $0x7;
	s24 =	sand.u32 $0x1FFC0000, s24  }
0x41: {  	s31 =	sadd.s32 s3, s24;
	s24 =	sadd.s32 s6, s25  }
0x42: {  	s26 =	sadd.s32 s24, s31;
	s31 =	simm.s32 $0xE400  }
0x43: {  	[hbm4b:s26+s4] =	stream.linear.scatter [tilespmem:s31], [sflag:$0x3], $0x80, $0x38;
	[tilespmem:$0x12800] =	vst v63  }
0x44: {  	s31 =	simm.s32 $0xE488;
	s28 =	sadd.s32 $0x10, s26  }
0x45: {  	[hbm4b:s28+s4] =	stream.linear.scatter [tilespmem:s31], [sflag:$0x3], $0x80, $0x38;
	[tilespmem:$0x12800] =	vst v63  }
0x46: {  	s31 =	simm.s32 $0xE510;
	s28 =	sadd.s32 $0x20, s26  }
0x47: {  	[hbm4b:s28+s4] =	stream.linear.scatter [tilespmem:s31], [sflag:$0x3], $0x80, $0x38;
	[tilespmem:$0x12800] =	vst v63  }
0x48: {  	s31 =	simm.s32 $0xE598;
	s28 =	sadd.s32 $0x30, s26  }
0x49: {  	[hbm4b:s28+s4] =	stream.linear.scatter [tilespmem:s31], [sflag:$0x3], $0x80, $0x38;
	[tilespmem:$0x12800] =	vst v63  }
0x4a: {  	s31 =	simm.s32 $0xE620;
	s28 =	sadd.s32 $0x40, s26  }
0x4b: {  	[hbm4b:s28+s4] =	stream.linear.scatter [tilespmem:s31], [sflag:$0x3], $0x80, $0x38;
	[tilespmem:$0x12800] =	vst v63  }
0x4c: {  	s29 =	simm.s32 $0xE7B8;
	s31 =	simm.s32 $0xE6A8;
	s28 =	sadd.s32 $0x50, s26  }
0x4d: {  	[hbm4b:s28+s4] =	stream.linear.scatter [tilespmem:s31], [sflag:$0x3], $0x80, $0x38;
	[tilespmem:$0x12800] =	vst v63  }
0x4e: {  	s25 =	simm.s32 $0x440;
	s31 =	simm.s32 $0xE730;
	s28 =	sadd.s32 $0x60, s26  }
0x4f: {  	[hbm4b:s28+s4] =	stream.linear.scatter [tilespmem:s31], [sflag:$0x3], $0x80, $0x38;
	[tilespmem:$0x12800] =	vst v63  }
0x50: {  	s30 =	sadd.s32 $0x70, s26;
	s26 =	sadd.s32 $0x4000, s26;
	s28 =	simm.s32 $0x2200  }
.LBB2_5:
0x51: {  	[hbm4b:s30+s4] =	stream.linear.scatter [tilespmem:s29], [sflag:$0x3], $0x80, $0x38;
	[tilespmem:$0x12800] =	vst v63  }
0x52: {  	s29 =	smov.u32 s25;
	s25 =	smov.u32 s28  }
0x53: {  	s31 =	sadd.s32 $0x1100, s28;
	s25 =	sshra.s32 s25, $0x2;
	s30 =	sadd.s32 $0xE400, s29  }
0x54: {  	[hbm4b:s26+s4] =	stream.linear.scatter [tilespmem:s30], [sflag:$0x3], $0x80, $0x38;
	[tilespmem:$0x12800] =	vst v63  }
0x55: {  	p2 =	sne.s32 s28, $0x7700;
	s28 =	sadd.s32 $0xE488, s29;
	s30 =	sadd.s32 $0x10, s26  }
0x56: {  	[hbm4b:s30+s4] =	stream.linear.scatter [tilespmem:s28], [sflag:$0x3], $0x80, $0x38;
	[tilespmem:$0x12800] =	vst v63  }
0x57: {  	s28 =	sadd.s32 $0xE510, s29;
	s30 =	sadd.s32 $0x20, s26  }
0x58: {  	[hbm4b:s30+s4] =	stream.linear.scatter [tilespmem:s28], [sflag:$0x3], $0x80, $0x38;
	[tilespmem:$0x12800] =	vst v63  }
0x59: {  	s28 =	sadd.s32 $0xE598, s29;
	s30 =	sadd.s32 $0x30, s26  }
0x5a: {  	[hbm4b:s30+s4] =	stream.linear.scatter [tilespmem:s28], [sflag:$0x3], $0x80, $0x38;
	[tilespmem:$0x12800] =	vst v63  }
0x5b: {  	s28 =	sadd.s32 $0xE620, s29;
	s30 =	sadd.s32 $0x40, s26  }
0x5c: {  	[hbm4b:s30+s4] =	stream.linear.scatter [tilespmem:s28], [sflag:$0x3], $0x80, $0x38;
	[tilespmem:$0x12800] =	vst v63  }
.Ltmp1:
0x5d: {  	s28 =	sadd.s32 $0xE6A8, s29;
	s30 =	sadd.s32 $0x50, s26;
	(pc) =	sbr.rel @p2 .LBB2_5-.Ltmp1, $4  }
0x5e: {  	[hbm4b:s30+s4] =	stream.linear.scatter [tilespmem:s28], [sflag:$0x3], $0x80, $0x38;
	[tilespmem:$0x12800] =	vst v63  }
0x5f: {  	s28 =	sadd.s32 $0xE730, s29;
	s30 =	sadd.s32 $0x60, s26;
	s29 =	sadd.s32 $0xE7B8, s29  }
0x60: {  	[hbm4b:s30+s4] =	stream.linear.scatter [tilespmem:s28], [sflag:$0x3], $0x80, $0x38;
	[tilespmem:$0x12800] =	vst v63  }
0x61: {  	s30 =	sadd.s32 $0x70, s26;
	s26 =	sadd.s32 $0x4000, s26;
	s28 =	smov.u32 s31  }
0x62: {  	[hbm4b:s30+s4] =	stream.linear.scatter [tilespmem:s29], [sflag:$0x3], $0x80, $0x38;
	[tilespmem:$0x12800] =	vst v63  }
0x63: {  	s28 =	sadd.s32 $0xE400, s25  }
0x64: {  	[hbm4b:s26+s4] =	stream.linear.scatter [tilespmem:s28], [sflag:$0x3], $0x80, $0x38;
	[tilespmem:$0x12800] =	vst v63  }
0x65: {  	s30 =	sadd.s32 $0x10, s26;
	s28 =	sadd.s32 $0xE488, s25  }
0x66: {  	[hbm4b:s30+s4] =	stream.linear.scatter [tilespmem:s28], [sflag:$0x3], $0x80, $0x38;
	[tilespmem:$0x12800] =	vst v63  }
0x67: {  	s31 =	sadd.s32 $0x20, s26;
	s28 =	sadd.s32 $0xE510, s25  }
0x68: {  	[hbm4b:s31+s4] =	stream.linear.scatter [tilespmem:s28], [sflag:$0x3], $0x80, $0x38;
	[tilespmem:$0x12800] =	vst v63  }
0x69: {  	s30 =	sadd.s32 $0x30, s26;
	s28 =	sadd.s32 $0xE598, s25  }
0x6a: {  	[hbm4b:s30+s4] =	stream.linear.scatter [tilespmem:s28], [sflag:$0x3], $0x80, $0x38;
	[tilespmem:$0x12800] =	vst v63  }
0x6b: {  	s31 =	sadd.s32 $0x40, s26;
	s28 =	sadd.s32 $0xE620, s25  }
0x6c: {  	[hbm4b:s31+s4] =	stream.linear.scatter [tilespmem:s28], [sflag:$0x3], $0x80, $0x38;
	[tilespmem:$0x12800] =	vst v63  }
0x6d: {  	s30 =	sadd.s32 $0x50, s26;
	s28 =	sadd.s32 $0xE6A8, s25  }
0x6e: {  	[hbm4b:s30+s4] =	stream.linear.scatter [tilespmem:s28], [sflag:$0x3], $0x80, $0x38;
	[tilespmem:$0x12800] =	vst v63  }
0x6f: {  	s31 =	sadd.s32 $0x60, s26;
	s28 =	sadd.s32 $0xE730, s25  }
0x70: {  	[hbm4b:s31+s4] =	stream.linear.scatter [tilespmem:s28], [sflag:$0x3], $0x80, $0x38;
	[tilespmem:$0x12800] =	vst v63  }
0x71: {  	s29 =	sadd.s32 $0xE7B8, s25;
	s30 =	sadd.s32 $0x70, s26  }
0x72: {  	[hbm4b:s30+s4] =	stream.linear.scatter [tilespmem:s29], [sflag:$0x3], $0x80, $0x38;
	[tilespmem:$0x12800] =	vst v63  }
0x73: {  	_ =	swait.ge [sflag:s16], $0x4000  }
0x74: {  	[sflag:s16] =	ssyncset.done $0x0  }
0x75: {  	s25 =	simm.s32 @!p1 $0x4;
	[sflag:s16] =	ssyncadd.s32 $0xFFFFC000  }
0x76: {  	s31 =	simm.s32 $0x0;
	_ =	swait.ge @!p1 [sflag:s25], $0x2000  }
0x77: {  	v4 =	vmov s31;
	[sflag:s25] =	ssyncset.done @!p1 $0x0  }
0x78: {  	s26 =	simm.s32 $0xA400;
	v5 =	vand.u32 $0x7F, v4;
	[sflag:s25] =	ssyncadd.s32 @!p1 $0xFFFFE000  }
0x79: {  	v6 =	vadd.s32 v0, v5;
	v4 =	vld [tilespmem:s26+$0x0];
	_ =	sdelay $0x4  }
0x7a: {  	[tilespmem:v6+s17+$0x0] =	vst.idx.msk $0xffff, v4  }
0x7b: {  	v6 =	vadd.s32 v1, v5;
	v4 =	vld [tilespmem:s26+$0x10];
	_ =	sdelay $0x4  }
0x7c: {  	[tilespmem:v6+s17+$0x0] =	vst.idx.msk $0xffff, v4  }
0x7d: {  	v6 =	vadd.s32 v2, v5;
	v4 =	vld [tilespmem:s26+$0x20];
	_ =	sdelay $0x4  }
0x7e: {  	[tilespmem:v6+s17+$0x0] =	vst.idx.msk $0xffff, v4  }
0x7f: {  	v5 =	vadd.s32 v3, v5;
	v4 =	vld [tilespmem:s26+$0x30];
	_ =	sdelay $0x2  }
0x80: {  	s28 =	simm.s32 $0x1  }
0x81: {  	s25 =	sor.u32 $0x1, s22;
	v6 =	vmov s28;
	s28 =	simm.s32 $0x2  }
.LBB2_7:
0x82: {  	p1 =	sne.s32 s28, $0x7F;
	v6 =	vand.u32 $0x7F, v6;
	[tilespmem:v5+s17+$0x0] =	vst.idx.msk $0xffff, v4;
	s26 =	sadd.s32 $0x80, s26  }
0x83: {  	v4 =	vld [tilespmem:s26+$0x0];
	v5 =	vadd.s32 v0, v6;
	_ =	sdelay $0x4  }
0x84: {  	[tilespmem:v5+s17+$0x0] =	vst.idx.msk $0xffff, v4  }
0x85: {  	v5 =	vadd.s32 v1, v6;
	v4 =	vld [tilespmem:s26+$0x10];
	_ =	sdelay $0x4  }
0x86: {  	[tilespmem:v5+s17+$0x0] =	vst.idx.msk $0xffff, v4  }
0x87: {  	v5 =	vadd.s32 v2, v6;
	v4 =	vld [tilespmem:s26+$0x20];
	_ =	sdelay $0x4  }
0x88: {  	[tilespmem:v5+s17+$0x0] =	vst.idx.msk $0xffff, v4  }
.Ltmp2:
0x89: {  	v5 =	vadd.s32 v3, v6;
	v4 =	vld [tilespmem:s26+$0x30];
	(pc) =	sbr.rel @p1 .LBB2_7-.Ltmp2, $2  }
0x8a: {  	_ =	sdelay $0x2  }
0x8b: {  	v6 =	vmov s28;
	s28 =	sadd.s32 $0x1, s28  }
0x8c: {  	_ =	sdelay $0x3  }
0x8d: {  	v6 =	vand.u32 $0x7F, v6;
	[tilespmem:v5+s17+$0x0] =	vst.idx.msk $0xffff, v4;
	s26 =	sadd.s32 $0x80, s26  }
0x8e: {  	v4 =	vld [tilespmem:s26+$0x0];
	v5 =	vadd.s32 v0, v6;
	_ =	sdelay $0x4  }
0x8f: {  	[tilespmem:v5+s17+$0x0] =	vst.idx.msk $0xffff, v4  }
0x90: {  	v5 =	vadd.s32 v1, v6;
	v4 =	vld [tilespmem:s26+$0x10];
	_ =	sdelay $0x4  }
0x91: {  	[tilespmem:v5+s17+$0x0] =	vst.idx.msk $0xffff, v4  }
0x92: {  	v5 =	vadd.s32 v2, v6;
	v4 =	vld [tilespmem:s26+$0x20];
	_ =	sdelay $0x1  }
0x93: {  	s22 =	sadd.s32 @!p0 $0x3, s22  }
0x94: {  	s28 =	smulhi.u32 @!p0 $0x51EB851F, s22;
	_ =	sdelay $0x1  }
0x95: {  	s29 =	sshrl.u32 @!p0 s28, $0x4;
	[tilespmem:v5+s17+$0x0] =	vst.idx.msk $0xffff, v4  }
0x96: {  	v5 =	vadd.s32 v3, v6;
	v4 =	vld [tilespmem:s26+$0x30];
	s26 =	smul.u32 @!p0 $0x1FFFCE, s29;
	_ =	sdelay $0x1  }
0x97: {  	s22 =	sadd.s32 @!p0 s22, s26  }
0x98: {  	s26 =	sshll.u32 @!p0 s28, $0x3;
	s22 =	sshll.u32 @!p0 s22, $0xB  }
0x99: {  	s23 =	sadd.s32 s23, s25;
	s26 =	sand.u32 @!p0 $0x3FFFFF80, s26;
	s22 =	sshra.s32 @!p0 s22, $0x2  }
0x9a: {  	s28 =	simm.s32 @!p0 $0xA400;
	[tilespmem:v5+s17+$0x0] =	vst.idx.msk $0xffff, v4;
	s22 =	sadd.s32 @!p0 s26, s22;
	s26 =	simm.s32 @!p0 $0x80  }
0x9b: {  	[tilespmem:s28], [sflag:$0x2] =	stream.indirect.gather @!p0 [hbm4b:s2+s26], $0x80, s22, s26, $0xb8;
	[tilespmem:$0x12800] =	vst v63  }
0x9c: {  	s22 =	sshll.u32 s23, $0x11  }
0x9d: {  	s22 =	sand.u32 $0x1FFE0000, s22  }
0x9e: {  	s22 =	sadd.s32 s3, s22  }
0x9f: {  	s25 =	simm.s32 $0x10600;
	s23 =	sadd.s32 s24, s22  }
0xa0: {  	[hbm4b:s23+s4] =	stream.linear.scatter [tilespmem:s25], [sflag:$0x4], $0x80, $0x38;
	[tilespmem:$0x12800] =	vst v63  }
0xa1: {  	s26 =	simm.s32 $0x10688;
	s24 =	sadd.s32 $0x10, s23  }
0xa2: {  	[hbm4b:s24+s4] =	stream.linear.scatter [tilespmem:s26], [sflag:$0x4], $0x80, $0x38;
	[tilespmem:$0x12800] =	vst v63  }
0xa3: {  	s30 =	simm.s32 $0x10798;
	s28 =	simm.s32 $0x10710;
	s29 =	sadd.s32 $0x20, s23  }
0xa4: {  	[hbm4b:s29+s4] =	stream.linear.scatter [tilespmem:s28], [sflag:$0x4], $0x80, $0x38;
	[tilespmem:$0x12800] =	vst v63  }
0xa5: {  	s22 =	simm.s32 $0x440;
	s31 =	sadd.s32 $0x30, s23;
	s25 =	simm.s32 $0x10820  }
0xa6: {  	[hbm4b:s31+s4] =	stream.linear.scatter [tilespmem:s30], [sflag:$0x4], $0x80, $0x38;
	[tilespmem:$0x12800] =	vst v63  }
0xa7: {  	s26 =	sadd.s32 $0x40, s23;
	s24 =	simm.s32 $0x2200;
	s28 =	simm.s32 $0x108A8  }
0xa8: {  	[hbm4b:s26+s4] =	stream.linear.scatter [tilespmem:s25], [sflag:$0x4], $0x80, $0x38;
	[tilespmem:$0x12800] =	vst v63  }
0xa9: {  	s29 =	sadd.s32 $0x50, s23;
	s30 =	simm.s32 $0x10930;
	s31 =	sadd.s32 $0x60, s23  }
0xaa: {  	[hbm4b:s29+s4] =	stream.linear.scatter [tilespmem:s28], [sflag:$0x4], $0x80, $0x38;
	[tilespmem:$0x12800] =	vst v63  }
0xab: {  	s25 =	simm.s32 $0x109B8;
	s26 =	sadd.s32 $0x70, s23;
	s23 =	sadd.s32 $0x4000, s23  }
0xac: {  	[hbm4b:s31+s4] =	stream.linear.scatter [tilespmem:s30], [sflag:$0x4], $0x80, $0x38;
	[tilespmem:$0x12800] =	vst v63  }
.LBB2_9:
0xad: {  	[hbm4b:s26+s4] =	stream.linear.scatter [tilespmem:s25], [sflag:$0x4], $0x80, $0x38;
	[tilespmem:$0x12800] =	vst v63  }
0xae: {  	s25 =	smov.u32 s22;
	s22 =	smov.u32 s24  }
0xaf: {  	s28 =	sadd.s32 $0x1100, s24;
	s22 =	sshra.s32 s22, $0x2;
	s26 =	sadd.s32 $0x10600, s25  }
0xb0: {  	[hbm4b:s23+s4] =	stream.linear.scatter [tilespmem:s26], [sflag:$0x4], $0x80, $0x38;
	[tilespmem:$0x12800] =	vst v63  }
0xb1: {  	p0 =	sne.s32 s24, $0x7700;
	s24 =	sadd.s32 $0x10688, s25;
	s26 =	sadd.s32 $0x10, s23  }
0xb2: {  	[hbm4b:s26+s4] =	stream.linear.scatter [tilespmem:s24], [sflag:$0x4], $0x80, $0x38;
	[tilespmem:$0x12800] =	vst v63  }
0xb3: {  	s24 =	sadd.s32 $0x10710, s25;
	s26 =	sadd.s32 $0x20, s23  }
0xb4: {  	[hbm4b:s26+s4] =	stream.linear.scatter [tilespmem:s24], [sflag:$0x4], $0x80, $0x38;
	[tilespmem:$0x12800] =	vst v63  }
0xb5: {  	s24 =	sadd.s32 $0x10798, s25;
	s26 =	sadd.s32 $0x30, s23  }
0xb6: {  	[hbm4b:s26+s4] =	stream.linear.scatter [tilespmem:s24], [sflag:$0x4], $0x80, $0x38;
	[tilespmem:$0x12800] =	vst v63  }
0xb7: {  	s24 =	sadd.s32 $0x10820, s25;
	s26 =	sadd.s32 $0x40, s23  }
0xb8: {  	[hbm4b:s26+s4] =	stream.linear.scatter [tilespmem:s24], [sflag:$0x4], $0x80, $0x38;
	[tilespmem:$0x12800] =	vst v63  }
.Ltmp3:
0xb9: {  	s24 =	sadd.s32 $0x108A8, s25;
	s26 =	sadd.s32 $0x50, s23;
	(pc) =	sbr.rel @p0 .LBB2_9-.Ltmp3, $4  }
0xba: {  	[hbm4b:s26+s4] =	stream.linear.scatter [tilespmem:s24], [sflag:$0x4], $0x80, $0x38;
	[tilespmem:$0x12800] =	vst v63  }
0xbb: {  	s24 =	sadd.s32 $0x10930, s25;
	s26 =	sadd.s32 $0x60, s23;
	s25 =	sadd.s32 $0x109B8, s25  }
0xbc: {  	[hbm4b:s26+s4] =	stream.linear.scatter [tilespmem:s24], [sflag:$0x4], $0x80, $0x38;
	[tilespmem:$0x12800] =	vst v63  }
0xbd: {  	s26 =	sadd.s32 $0x70, s23;
	s23 =	sadd.s32 $0x4000, s23;
	s24 =	smov.u32 s28  }
0xbe: {  	[hbm4b:s26+s4] =	stream.linear.scatter [tilespmem:s25], [sflag:$0x4], $0x80, $0x38;
	[tilespmem:$0x12800] =	vst v63  }
0xbf: {  	s24 =	sadd.s32 $0x10600, s22  }
0xc0: {  	[hbm4b:s23+s4] =	stream.linear.scatter [tilespmem:s24], [sflag:$0x4], $0x80, $0x38;
	[tilespmem:$0x12800] =	vst v63  }
0xc1: {  	s30 =	sadd.s32 $0x10688, s22;
	s31 =	sadd.s32 $0x10, s23  }
0xc2: {  	[hbm4b:s31+s4] =	stream.linear.scatter [tilespmem:s30], [sflag:$0x4], $0x80, $0x38;
	[tilespmem:$0x12800] =	vst v63  }
0xc3: {  	s25 =	sadd.s32 $0x10710, s22;
	s26 =	sadd.s32 $0x20, s23  }
0xc4: {  	[hbm4b:s26+s4] =	stream.linear.scatter [tilespmem:s25], [sflag:$0x4], $0x80, $0x38;
	[tilespmem:$0x12800] =	vst v63  }
0xc5: {  	s28 =	sadd.s32 $0x10798, s22;
	s29 =	sadd.s32 $0x30, s23  }
0xc6: {  	[hbm4b:s29+s4] =	stream.linear.scatter [tilespmem:s28], [sflag:$0x4], $0x80, $0x38;
	[tilespmem:$0x12800] =	vst v63  }
0xc7: {  	s21 =	sadd.s32 $0x1, s21;
	s30 =	sadd.s32 $0x10820, s22;
	s31 =	sadd.s32 $0x40, s23  }
0xc8: {  	[hbm4b:s31+s4] =	stream.linear.scatter [tilespmem:s30], [sflag:$0x4], $0x80, $0x38;
	[tilespmem:$0x12800] =	vst v63  }
0xc9: {  	p0 =	sne.s32 s21, $0x64;
	s25 =	sadd.s32 $0x108A8, s22;
	s26 =	sadd.s32 $0x50, s23  }
0xca: {  	[hbm4b:s26+s4] =	stream.linear.scatter [tilespmem:s25], [sflag:$0x4], $0x80, $0x38;
	[tilespmem:$0x12800] =	vst v63  }
.Ltmp4:
0xcb: {  	_ = 	snop;
	(pc) =	sbr.rel @p0 .LBB2_2-.Ltmp4, $4  }
0xcc: {  	s28 =	sadd.s32 $0x10930, s22;
	s29 =	sadd.s32 $0x60, s23  }
0xcd: {  	[hbm4b:s29+s4] =	stream.linear.scatter [tilespmem:s28], [sflag:$0x4], $0x80, $0x38;
	[tilespmem:$0x12800] =	vst v63  }
0xce: {  	s30 =	sadd.s32 $0x109B8, s22;
	s31 =	sadd.s32 $0x70, s23  }
0xcf: {  	[hbm4b:s31+s4] =	stream.linear.scatter [tilespmem:s30], [sflag:$0x4], $0x80, $0x38;
	[tilespmem:$0x12800] =	vst v63  }
0xd0: {  	s20 =	sadd.s32 $0x1, s20  }
0xd1: {  	_ =	swait.ge [sflag:s18], $0x2000;
	p0 =	sne.s32 s20, s7  }
.Ltmp5:
0xd2: {  	[sflag:s18] =	ssyncset.done $0x0;
	(pc) =	sbr.rel @p0 .LBB2_1-.Ltmp5, $4  }
0xd3: {  	[sflag:s18] =	ssyncadd.s32 $0xFFFFE000  }
0xd4: {  	_ =	swait.ge [sflag:s19], $0x2000  }
0xd5: {  	[sflag:s19] =	ssyncset.done $0x0  }
0xd6: {  	[sflag:s19] =	ssyncadd.s32 $0xFFFFE000  }
0xd7: {  	_ =	sfence.sel $0x180000  }
0xd8: {  	[bflag:$0x0] =	sbarrier.arrive $0xFFFF  }
0xd9: {  	p0 =	sne.s32 s0, $0x0;
	_ =	strace $0x90000047  }
0xda: {  	s0 =	sadd.s32 @!p0 $0x100000, s1;
	[bflag:$0x2] =	sbarrier.arrive $0xFFFF  }
0xdb: {  	[sflag:s0] =	ssyncadd.tile.s32 @!p0 $0x1;
	_ =	shalt  }
.Lfunc_end2:
_tile_overlayer_lowered:
.L_overlay_start_2:
0xdc: {  	(tag) =	ssettag $0x2  }
0xdd: {  	s0 =	rddreg [dreg:$0x0];
	s2 =	stileid.u32  }
0xde: {  	s1 =	rddreg [dreg:$0x1];
	p0 =	sne.s32 s2, $0x0  }
0xdf: {  	s3 =	rddreg [dreg:$0x2];
	[bflag:$0x3] =	sbarrier.arrive $0xFFFF;
	s2 =	simm.s32 @!p0 $0x1C05  }
0xe0: {  	[timem:s3], [sflag:s2] =	dma.local @!p0 [hbm:s0], s1  }
0xe1: {  	s0 =	simm.s32 @!p0 $0x5  }
0xe2: {  	_ =	swait.ge @!p0 [sflag:s0], s1  }
0xe3: {  	s1 =	ssub.s32 @!p0 $0x0, s1;
	[sflag:s0] =	ssyncset.done @!p0 $0x0  }
0xe4: {  	[sflag:s0] =	ssyncadd.s32 @!p0 s1  }
0xe5: {  	[bflag:$0x3] =	sbarrier.arrive $0xFFFF  }
0xe6: {  	_ =	shalt  }

</sc_bundles>
